<compile_context>
chip_gen: v7x
topology: tpu7x:2x2x1
jax: 0.10.2.dev20260603
libtpu: 0.0.44.dev20260713+nightly
codegen_flags: <defaults>
</compile_context>

<pallas_src>
import jax
import jax.numpy as jnp
from jax import lax
from jax.experimental import pallas as pl
from jax.experimental.pallas import tpu as pltpu
from jax.experimental.pallas import tpu_sc as plsc

NUM_EMB = 1000000
G_DIM = 64
R_DIM = 64
OUT_DIM = G_DIM + R_DIM
BATCH = 4096
NB_WORDS = 50
B_TOTAL = BATCH * NB_WORDS

NC = 2
NS = 16
NW = NC * NS
B_PER_W = B_TOTAL // NW
GROUP = 64
N_GROUPS = B_PER_W // GROUP
N_CHUNKS = B_PER_W // 16

JB = 256
JB_SHIFT = 8
J0_MAX = 1000064 - JB
NSLOT = 2


def _emb_body(sidx_hbm, spos_hbm, g_hbm, r_hbm, out_hbm,
              sidx_v, spos_v, blk, comb, colsc, bsem, ssem):
    wid = lax.axis_index("s") * NC + lax.axis_index("c")
    lane = lax.iota(jnp.int32, 16)
    hsplat = [jnp.full((16,), h, jnp.int32) for h in range(16)]

    def window(b):
        return jnp.minimum(b * JB, J0_MAX)

    def slot(b):
        return lax.rem(b, NSLOT)

    def fetch_block(b, wait):
        m = slot(b)
        j0 = window(b)
        cg = pltpu.async_copy(g_hbm.at[:, pl.ds(j0, JB)],
                              blk.at[m, pl.ds(0, G_DIM), :], bsem.at[m])
        cr = pltpu.async_copy(r_hbm.at[:, pl.ds(j0, JB)],
                              blk.at[m, pl.ds(G_DIM, R_DIM), :], bsem.at[m])
        if wait:
            cg.wait()
            cr.wait()

    def drain_block(b):
        m = slot(b)
        pltpu.make_async_copy(
            g_hbm.at[:, pl.ds(0, JB)], blk.at[m], bsem.at[m]).wait()

    def drain_scatter(p):
        pltpu.make_async_copy(
            out_hbm.at[pl.ds(0, GROUP), :], comb.at[p], ssem.at[p]).wait()

    def extract(cb, rowi, gp, colv):
        mv = jnp.full((16,), slot(cb), jnp.int32)
        for gi in range(0, G_DIM, 16):
            comb[gp, rowi, pl.ds(gi, 16)] = plsc.load_gather(
                blk, [mv, lane + gi, colv])
        for gi in range(0, R_DIM, 16):
            comb[gp, rowi, pl.ds(G_DIM + gi, 16)] = plsc.load_gather(
                blk, [mv, G_DIM + lane + gi, colv])

    pltpu.sync_copy(sidx_hbm.at[wid], sidx_v.at[pl.ds(0, B_PER_W)])
    pltpu.sync_copy(spos_hbm.at[wid], spos_v)

    b0 = sidx_v[pl.ds(0, 16)][0] >> JB_SHIFT
    fetch_block(b0, True)
    for k in range(1, NSLOT):
        fetch_block(b0 + k, False)

    def chunk_body(ci, cur_b):
        sl = ci * 16
        g = ci >> 2
        gp = g & 1
        rowbase = sl & (GROUP - 1)
        jv = sidx_v[pl.ds(sl, 16)]
        b_last = (jv >> JB_SHIFT)[15]

        @pl.when(((ci & 3) == 0) & (g >= 2))
        def _():
            drain_scatter(gp)

        def fast(cb):
            colsc[:] = jv - window(cb)
            for h in range(16):
                colv = plsc.load_gather(colsc, [hsplat[h]])
                extract(cb, rowbase + h, gp, colv)
            return cb

        def slow(cb):
            def hit_body(h, cbi):
                j = sidx_v[pl.ds(sl + h, 16)][0]
                b = j >> JB_SHIFT
                reload = b != cbi
                jump = b != cbi + 1

                @pl.when(reload & jnp.logical_not(jump))
                def _():
                    drain_block(b)
                    fetch_block(b + NSLOT - 1, False)

                @pl.when(reload & jump)
                def _():
                    for k in range(1, NSLOT):
                        drain_block(cbi + k)
                    fetch_block(b, True)
                    for k in range(1, NSLOT):
                        fetch_block(b + k, False)

                colv = jnp.full((16,), j - window(b), jnp.int32)
                extract(b, rowbase + h, gp, colv)
                return b

            return lax.fori_loop(0, 16, hit_body, cb)

        del fast, b_last
        new_b = slow(cur_b)

        @pl.when((ci & 3) == 3)
        def _():
            pltpu.async_copy(
                comb.at[gp], out_hbm.at[spos_v.at[g]], ssem.at[gp])

        return new_b

    last_b = lax.fori_loop(0, N_CHUNKS, chunk_body, b0)

    for k in range(1, NSLOT):
        drain_block(last_b + k)
    drain_scatter(0)
    drain_scatter(1)


def _emb_call(sidx2, spos3, glove_t, rand_t):
    kern = pl.kernel(
        _emb_body,
        out_type=jax.ShapeDtypeStruct((B_TOTAL, OUT_DIM), jnp.float32),
        mesh=plsc.VectorSubcoreMesh(core_axis_name="c", subcore_axis_name="s"),
        compiler_params=pltpu.CompilerParams(needs_layout_passes=False),
        scratch_types=[
            pltpu.VMEM((B_PER_W + 16,), jnp.int32),
            pltpu.VMEM((N_GROUPS, GROUP), jnp.int32),
            pltpu.VMEM((NSLOT, OUT_DIM, JB), jnp.float32),
            pltpu.VMEM((2, GROUP, OUT_DIM), jnp.float32),
            pltpu.VMEM((16,), jnp.int32),
            pltpu.SemaphoreType.DMA((NSLOT,)),
            pltpu.SemaphoreType.DMA((2,)),
        ],
    )
    return kern(sidx2, spos3, glove_t, rand_t)


def kernel(x, glove_weight, rand_weight):
    xt_flat = x.T.reshape(B_TOTAL)
    k = lax.iota(jnp.int32, B_TOTAL)
    pos = (k % BATCH) * NB_WORDS + k // BATCH
    sidx, spos = lax.sort([xt_flat, pos], num_keys=1, is_stable=False)
    sidx2 = sidx.reshape(NW, B_PER_W)
    spos3 = spos.reshape(NW, N_GROUPS, GROUP)
    out = _emb_call(sidx2, spos3, glove_weight.T, rand_weight.T)
    return out.reshape(BATCH, NB_WORDS, OUT_DIM)

# --- scband reference (transcript-rebuilt; emitter-appended) ---
"""Pipeline reference for scband-glove-emb-45449343926590 (READ-ONLY COPY).

The authoritative reference and input builder live on the scoring server;
editing this copy changes nothing except your own understanding.
"""

import jax, jax.numpy as jnp
import numpy as np

NUM_EMBEDDINGS = 1000000
GLOVE_DIM = 64
RAND_DIM = 64
BATCH = 4096
NB_WORDS = 50


def setup_inputs(seed: int = 0) -> dict:
    key = jax.random.key(seed)
    k_x, k_glove, k_rand = jax.random.split(key, 3)
    x = jax.random.randint(k_x, (BATCH, NB_WORDS), 0, NUM_EMBEDDINGS, dtype=jnp.int64 if jax.config.jax_enable_x64 else jnp.int32).astype(jnp.int32)
    glove_weight = jax.random.normal(k_glove, (NUM_EMBEDDINGS, GLOVE_DIM), dtype=jnp.float32)
    rand_weight = jax.random.normal(k_rand, (NUM_EMBEDDINGS, RAND_DIM), dtype=jnp.float32)
    return {"x": x, "glove_weight": glove_weight, "rand_weight": rand_weight}


def reference(x, glove_weight, rand_weight):
    # emb = self.glove(x)
    emb = jnp.take(glove_weight, x, axis=0)  # (B, W, glove_dim)
    # add_rand_embed=True: emb2 = self.embed(x); cat along dim=2
    emb2 = jnp.take(rand_weight, x, axis=0)  # (B, W, rand_dim)
    emb = jnp.concatenate([emb, emb2], axis=2)  # (B, W, glove_dim + rand_dim)
    return emb

if __name__ == "__main__":
    import jax
    _d = setup_inputs()
    print(jax.jit(kernel)(*tuple(_d.values())))

</pallas_src>

<mosaic_0001>
#map = affine_map<(d0, d1) -> (0, 0)>
#map1 = affine_map<(d0, d1) -> (0, 0, 0)>
module attributes {stable_mosaic.version = 14 : i64} {
  func.func @_emb_body(%arg0: i32, %arg1: i32, %arg2: memref<32x6400xi32, #tpu.memory_space<hbm>>, %arg3: memref<32x100x64xi32, #tpu.memory_space<hbm>>, %arg4: memref<64x1000000xf32, #tpu.memory_space<hbm>>, %arg5: memref<64x1000000xf32, #tpu.memory_space<hbm>>, %arg6: memref<204800x128xf32, #tpu.memory_space<hbm>>, %arg7: memref<6416xi32, #tpu.memory_space<vmem>>, %arg8: memref<100x64xi32, #tpu.memory_space<vmem>>, %arg9: memref<2x128x256xf32, #tpu.memory_space<vmem>>, %arg10: memref<2x64x128xf32, #tpu.memory_space<vmem>>, %arg11: memref<16xi32, #tpu.memory_space<vmem>>, %arg12: memref<2x!tpu.dma_semaphore, #tpu.memory_space<semaphore_mem>>, %arg13: memref<2x!tpu.dma_semaphore, #tpu.memory_space<semaphore_mem>>) attributes {dimension_semantics = [#tpu.dimension_semantics<core_parallel>, #tpu.dimension_semantics<subcore_parallel>], iteration_bounds = array<i64: 2, 16>, scalar_prefetch = 0 : i64, scratch_operands = 7 : i64, tpu.core_type = #tpu.core_type<sc_vector_subcore>, window_params = [{transform_indices = #map}, {transform_indices = #map1}, {transform_indices = #map}, {transform_indices = #map}, {transform_indices = #map}]} {
    %mul3A = arith.constant 2 : i32
    %mul3A_0 = arith.muli %arg1, %mul3A : i32
    %add3A = arith.addi %mul3A_0, %arg0 : i32
    %iota3A = tpu.iota {dimensions = array<i32: 0>} : vector<16xi32>
    %broadcast_in_dim3A = arith.constant 0 : i32
    %broadcast_in_dim3A_1 = vector.broadcast %broadcast_in_dim3A : i32 to vector<16xi32>
    %broadcast_in_dim3A_2 = arith.constant 1 : i32
    %broadcast_in_dim3A_3 = vector.broadcast %broadcast_in_dim3A_2 : i32 to vector<16xi32>
    %broadcast_in_dim3A_4 = arith.constant 2 : i32
    %broadcast_in_dim3A_5 = vector.broadcast %broadcast_in_dim3A_4 : i32 to vector<16xi32>
    %broadcast_in_dim3A_6 = arith.constant 3 : i32
    %broadcast_in_dim3A_7 = vector.broadcast %broadcast_in_dim3A_6 : i32 to vector<16xi32>
    %broadcast_in_dim3A_8 = arith.constant 4 : i32
    %broadcast_in_dim3A_9 = vector.broadcast %broadcast_in_dim3A_8 : i32 to vector<16xi32>
    %broadcast_in_dim3A_10 = arith.constant 5 : i32
    %broadcast_in_dim3A_11 = vector.broadcast %broadcast_in_dim3A_10 : i32 to vector<16xi32>
    %broadcast_in_dim3A_12 = arith.constant 6 : i32
    %broadcast_in_dim3A_13 = vector.broadcast %broadcast_in_dim3A_12 : i32 to vector<16xi32>
    %broadcast_in_dim3A_14 = arith.constant 7 : i32
    %broadcast_in_dim3A_15 = vector.broadcast %broadcast_in_dim3A_14 : i32 to vector<16xi32>
    %broadcast_in_dim3A_16 = arith.constant 8 : i32
    %broadcast_in_dim3A_17 = vector.broadcast %broadcast_in_dim3A_16 : i32 to vector<16xi32>
    %broadcast_in_dim3A_18 = arith.constant 9 : i32
    %broadcast_in_dim3A_19 = vector.broadcast %broadcast_in_dim3A_18 : i32 to vector<16xi32>
    %broadcast_in_dim3A_20 = arith.constant 10 : i32
    %broadcast_in_dim3A_21 = vector.broadcast %broadcast_in_dim3A_20 : i32 to vector<16xi32>
    %broadcast_in_dim3A_22 = arith.constant 11 : i32
    %broadcast_in_dim3A_23 = vector.broadcast %broadcast_in_dim3A_22 : i32 to vector<16xi32>
    %broadcast_in_dim3A_24 = arith.constant 12 : i32
    %broadcast_in_dim3A_25 = vector.broadcast %broadcast_in_dim3A_24 : i32 to vector<16xi32>
    %broadcast_in_dim3A_26 = arith.constant 13 : i32
    %broadcast_in_dim3A_27 = vector.broadcast %broadcast_in_dim3A_26 : i32 to vector<16xi32>
    %broadcast_in_dim3A_28 = arith.constant 14 : i32
    %broadcast_in_dim3A_29 = vector.broadcast %broadcast_in_dim3A_28 : i32 to vector<16xi32>
    %broadcast_in_dim3A_30 = arith.constant 15 : i32
    %broadcast_in_dim3A_31 = vector.broadcast %broadcast_in_dim3A_30 : i32 to vector<16xi32>
    "tpu.region"() ({
      %run_scoped3A = tpu.sem_alloc : memref<!tpu.dma_semaphore, #tpu.memory_space<semaphore_mem>>
      %dma_start3A_189 = arith.constant 0 : i32
      %dma_start3A_190 = tpu.memref_slice %arg7[%dma_start3A_189] : memref<6416xi32, #tpu.memory_space<vmem>> -> memref<6400xi32, #tpu.memory_space<vmem>>
      %dma_start3A_191 = arith.constant 0 : i32
      %dma_start3A_192 = tpu.memref_slice %arg2[%add3A, %dma_start3A_191] : memref<32x6400xi32, #tpu.memory_space<hbm>> -> memref<1x6400xi32, #tpu.memory_space<hbm>>
      %dma_start3A_193 = tpu.memref_squeeze %dma_start3A_192 : memref<1x6400xi32, #tpu.memory_space<hbm>> -> memref<6400xi32, #tpu.memory_space<hbm>>
      %dma_start3A_194 = arith.constant 0 : i32
      %dma_start3A_195 = tpu.memref_slice %arg7[%dma_start3A_194] : memref<6416xi32, #tpu.memory_space<vmem>> -> memref<6400xi32, #tpu.memory_space<vmem>>
      %dma_start3A_196 = arith.constant 0 : i32
      %dma_start3A_197 = tpu.memref_slice %arg2[%add3A, %dma_start3A_196] : memref<32x6400xi32, #tpu.memory_space<hbm>> -> memref<1x6400xi32, #tpu.memory_space<hbm>>
      %dma_start3A_198 = tpu.memref_squeeze %dma_start3A_197 : memref<1x6400xi32, #tpu.memory_space<hbm>> -> memref<6400xi32, #tpu.memory_space<hbm>>
      tpu.enqueue_dma source(%dma_start3A_198 : memref<6400xi32, #tpu.memory_space<hbm>>) target(%dma_start3A_195 : memref<6400xi32, #tpu.memory_space<vmem>>) target_semaphore(%run_scoped3A : memref<!tpu.dma_semaphore, #tpu.memory_space<semaphore_mem>>)
      %dma_wait3A_199 = arith.constant 0 : i32
      %dma_wait3A_200 = tpu.memref_slice %arg7[%dma_wait3A_199] : memref<6416xi32, #tpu.memory_space<vmem>> -> memref<6400xi32, #tpu.memory_space<vmem>>
      %dma_wait3A_201 = arith.constant 0 : i32
      %dma_wait3A_202 = tpu.memref_slice %arg2[%add3A, %dma_wait3A_201] : memref<32x6400xi32, #tpu.memory_space<hbm>> -> memref<1x6400xi32, #tpu.memory_space<hbm>>
      %dma_wait3A_203 = tpu.memref_squeeze %dma_wait3A_202 : memref<1x6400xi32, #tpu.memory_space<hbm>> -> memref<6400xi32, #tpu.memory_space<hbm>>
      %dma_wait3A_204 = arith.constant 0 : i32
      %dma_wait3A_205 = tpu.memref_slice %arg7[%dma_wait3A_204] : memref<6416xi32, #tpu.memory_space<vmem>> -> memref<6400xi32, #tpu.memory_space<vmem>>
      %dma_wait3A_206 = arith.constant 0 : i32
      %dma_wait3A_207 = tpu.memref_slice %arg2[%add3A, %dma_wait3A_206] : memref<32x6400xi32, #tpu.memory_space<hbm>> -> memref<1x6400xi32, #tpu.memory_space<hbm>>
      %dma_wait3A_208 = tpu.memref_squeeze %dma_wait3A_207 : memref<1x6400xi32, #tpu.memory_space<hbm>> -> memref<6400xi32, #tpu.memory_space<hbm>>
      tpu.wait_dma2 semaphore(%run_scoped3A : memref<!tpu.dma_semaphore, #tpu.memory_space<semaphore_mem>>) src(%dma_wait3A_208 : memref<6400xi32, #tpu.memory_space<hbm>>) dst(%dma_wait3A_205 : memref<6400xi32, #tpu.memory_space<vmem>>)
      tpu.yield
    }) : () -> ()
    "tpu.region"() ({
      %run_scoped3A = tpu.sem_alloc : memref<!tpu.dma_semaphore, #tpu.memory_space<semaphore_mem>>
      %dma_start3A_189 = arith.constant 0 : i32
      %dma_start3A_190 = arith.constant 0 : i32
      %dma_start3A_191 = tpu.memref_slice %arg3[%add3A, %dma_start3A_189, %dma_start3A_190] : memref<32x100x64xi32, #tpu.memory_space<hbm>> -> memref<1x100x64xi32, #tpu.memory_space<hbm>>
      %dma_start3A_192 = tpu.memref_squeeze %dma_start3A_191 : memref<1x100x64xi32, #tpu.memory_space<hbm>> -> memref<100x64xi32, #tpu.memory_space<hbm>>
      %dma_start3A_193 = arith.constant 0 : i32
      %dma_start3A_194 = arith.constant 0 : i32
      %dma_start3A_195 = tpu.memref_slice %arg3[%add3A, %dma_start3A_193, %dma_start3A_194] : memref<32x100x64xi32, #tpu.memory_space<hbm>> -> memref<1x100x64xi32, #tpu.memory_space<hbm>>
      %dma_start3A_196 = tpu.memref_squeeze %dma_start3A_195 : memref<1x100x64xi32, #tpu.memory_space<hbm>> -> memref<100x64xi32, #tpu.memory_space<hbm>>
      tpu.enqueue_dma source(%dma_start3A_196 : memref<100x64xi32, #tpu.memory_space<hbm>>) target(%arg8 : memref<100x64xi32, #tpu.memory_space<vmem>>) target_semaphore(%run_scoped3A : memref<!tpu.dma_semaphore, #tpu.memory_space<semaphore_mem>>)
      %dma_wait3A_197 = arith.constant 0 : i32
      %dma_wait3A_198 = arith.constant 0 : i32
      %dma_wait3A_199 = tpu.memref_slice %arg3[%add3A, %dma_wait3A_197, %dma_wait3A_198] : memref<32x100x64xi32, #tpu.memory_space<hbm>> -> memref<1x100x64xi32, #tpu.memory_space<hbm>>
      %dma_wait3A_200 = tpu.memref_squeeze %dma_wait3A_199 : memref<1x100x64xi32, #tpu.memory_space<hbm>> -> memref<100x64xi32, #tpu.memory_space<hbm>>
      %dma_wait3A_201 = arith.constant 0 : i32
      %dma_wait3A_202 = arith.constant 0 : i32
      %dma_wait3A_203 = tpu.memref_slice %arg3[%add3A, %dma_wait3A_201, %dma_wait3A_202] : memref<32x100x64xi32, #tpu.memory_space<hbm>> -> memref<1x100x64xi32, #tpu.memory_space<hbm>>
      %dma_wait3A_204 = tpu.memref_squeeze %dma_wait3A_203 : memref<1x100x64xi32, #tpu.memory_space<hbm>> -> memref<100x64xi32, #tpu.memory_space<hbm>>
      tpu.wait_dma2 semaphore(%run_scoped3A : memref<!tpu.dma_semaphore, #tpu.memory_space<semaphore_mem>>) src(%dma_wait3A_204 : memref<100x64xi32, #tpu.memory_space<hbm>>) dst(%arg8 : memref<100x64xi32, #tpu.memory_space<vmem>>)
      tpu.yield
    }) : () -> ()
    %get3A = arith.constant 0 : index
    %get3A_32 = tpu.vector_load %arg7[%get3A] {strides = array<i32>} : memref<6416xi32, #tpu.memory_space<vmem>>, vector<16xi32>,
    %slice3A = vector.extract_strided_slice %get3A_32 {offsets = [0], sizes = [1], strides = [1]} : vector<16xi32> to vector<1xi32>
    %squeeze3A = vector.extract %slice3A[0] : i32 from vector<1xi32>
    %shift_right_arithmetic3A = arith.constant 8 : i32
    %shift_right_arithmetic3A_33 = arith.shrsi %squeeze3A, %shift_right_arithmetic3A : i32
    %rem3A = arith.constant 2 : i32
    %rem3A_34 = arith.remsi %shift_right_arithmetic3A_33, %rem3A : i32
    %mul3A_35 = arith.constant 256 : i32
    %mul3A_36 = arith.muli %shift_right_arithmetic3A_33, %mul3A_35 : i32
    %min3A = arith.constant 999808 : i32
    %min3A_37 = arith.minsi %mul3A_36, %min3A : i32
    %dma_start3A = arith.constant 0 : i32
    %dma_start3A_38 = arith.constant 0 : i32
    %dma_start3A_39 = tpu.memref_slice %arg9[%rem3A_34, %dma_start3A, %dma_start3A_38] : memref<2x128x256xf32, #tpu.memory_space<vmem>> -> memref<1x64x256xf32, #tpu.memory_space<vmem>>
    %dma_start3A_40 = tpu.memref_squeeze %dma_start3A_39 : memref<1x64x256xf32, #tpu.memory_space<vmem>> -> memref<64x256xf32, #tpu.memory_space<vmem>>
    %dma_start3A_41 = arith.constant 0 : i32
    %dma_start3A_42 = tpu.memref_slice %arg4[%dma_start3A_41, %min3A_37] : memref<64x1000000xf32, #tpu.memory_space<hbm>> -> memref<64x256xf32, #tpu.memory_space<hbm>>
    %dma_start3A_43 = tpu.memref_slice %arg12[%rem3A_34] : memref<2x!tpu.dma_semaphore, #tpu.memory_space<semaphore_mem>> -> memref<1x!tpu.dma_semaphore, #tpu.memory_space<semaphore_mem>>
    %dma_start3A_44 = tpu.memref_squeeze %dma_start3A_43 : memref<1x!tpu.dma_semaphore, #tpu.memory_space<semaphore_mem>> -> memref<!tpu.dma_semaphore, #tpu.memory_space<semaphore_mem>>
    %dma_start3A_45 = arith.constant 0 : i32
    %dma_start3A_46 = arith.constant 0 : i32
    %dma_start3A_47 = tpu.memref_slice %arg9[%rem3A_34, %dma_start3A_45, %dma_start3A_46] : memref<2x128x256xf32, #tpu.memory_space<vmem>> -> memref<1x64x256xf32, #tpu.memory_space<vmem>>
    %dma_start3A_48 = tpu.memref_squeeze %dma_start3A_47 : memref<1x64x256xf32, #tpu.memory_space<vmem>> -> memref<64x256xf32, #tpu.memory_space<vmem>>
    %dma_start3A_49 = arith.constant 0 : i32
    %dma_start3A_50 = tpu.memref_slice %arg4[%dma_start3A_49, %min3A_37] : memref<64x1000000xf32, #tpu.memory_space<hbm>> -> memref<64x256xf32, #tpu.memory_space<hbm>>
    tpu.enqueue_dma source(%dma_start3A_50 : memref<64x256xf32, #tpu.memory_space<hbm>>) target(%dma_start3A_48 : memref<64x256xf32, #tpu.memory_space<vmem>>) target_semaphore(%dma_start3A_44 : memref<!tpu.dma_semaphore, #tpu.memory_space<semaphore_mem>>)
    %dma_start3A_51 = arith.constant 64 : i32
    %dma_start3A_52 = arith.constant 0 : i32
    %dma_start3A_53 = tpu.memref_slice %arg9[%rem3A_34, %dma_start3A_51, %dma_start3A_52] : memref<2x128x256xf32, #tpu.memory_space<vmem>> -> memref<1x64x256xf32, #tpu.memory_space<vmem>>
    %dma_start3A_54 = tpu.memref_squeeze %dma_start3A_53 : memref<1x64x256xf32, #tpu.memory_space<vmem>> -> memref<64x256xf32, #tpu.memory_space<vmem>>
    %dma_start3A_55 = arith.constant 0 : i32
    %dma_start3A_56 = tpu.memref_slice %arg5[%dma_start3A_55, %min3A_37] : memref<64x1000000xf32, #tpu.memory_space<hbm>> -> memref<64x256xf32, #tpu.memory_space<hbm>>
    %dma_start3A_57 = tpu.memref_slice %arg12[%rem3A_34] : memref<2x!tpu.dma_semaphore, #tpu.memory_space<semaphore_mem>> -> memref<1x!tpu.dma_semaphore, #tpu.memory_space<semaphore_mem>>
    %dma_start3A_58 = tpu.memref_squeeze %dma_start3A_57 : memref<1x!tpu.dma_semaphore, #tpu.memory_space<semaphore_mem>> -> memref<!tpu.dma_semaphore, #tpu.memory_space<semaphore_mem>>
    %dma_start3A_59 = arith.constant 64 : i32
    %dma_start3A_60 = arith.constant 0 : i32
    %dma_start3A_61 = tpu.memref_slice %arg9[%rem3A_34, %dma_start3A_59, %dma_start3A_60] : memref<2x128x256xf32, #tpu.memory_space<vmem>> -> memref<1x64x256xf32, #tpu.memory_space<vmem>>
    %dma_start3A_62 = tpu.memref_squeeze %dma_start3A_61 : memref<1x64x256xf32, #tpu.memory_space<vmem>> -> memref<64x256xf32, #tpu.memory_space<vmem>>
    %dma_start3A_63 = arith.constant 0 : i32
    %dma_start3A_64 = tpu.memref_slice %arg5[%dma_start3A_63, %min3A_37] : memref<64x1000000xf32, #tpu.memory_space<hbm>> -> memref<64x256xf32, #tpu.memory_space<hbm>>
    tpu.enqueue_dma source(%dma_start3A_64 : memref<64x256xf32, #tpu.memory_space<hbm>>) target(%dma_start3A_62 : memref<64x256xf32, #tpu.memory_space<vmem>>) target_semaphore(%dma_start3A_58 : memref<!tpu.dma_semaphore, #tpu.memory_space<semaphore_mem>>)
    %dma_wait3A = arith.constant 0 : i32
    %dma_wait3A_65 = arith.constant 0 : i32
    %dma_wait3A_66 = tpu.memref_slice %arg9[%rem3A_34, %dma_wait3A, %dma_wait3A_65] : memref<2x128x256xf32, #tpu.memory_space<vmem>> -> memref<1x64x256xf32, #tpu.memory_space<vmem>>
    %dma_wait3A_67 = tpu.memref_squeeze %dma_wait3A_66 : memref<1x64x256xf32, #tpu.memory_space<vmem>> -> memref<64x256xf32, #tpu.memory_space<vmem>>
    %dma_wait3A_68 = arith.constant 0 : i32
    %dma_wait3A_69 = tpu.memref_slice %arg4[%dma_wait3A_68, %min3A_37] : memref<64x1000000xf32, #tpu.memory_space<hbm>> -> memref<64x256xf32, #tpu.memory_space<hbm>>
    %dma_wait3A_70 = tpu.memref_slice %arg12[%rem3A_34] : memref<2x!tpu.dma_semaphore, #tpu.memory_space<semaphore_mem>> -> memref<1x!tpu.dma_semaphore, #tpu.memory_space<semaphore_mem>>
    %dma_wait3A_71 = tpu.memref_squeeze %dma_wait3A_70 : memref<1x!tpu.dma_semaphore, #tpu.memory_space<semaphore_mem>> -> memref<!tpu.dma_semaphore, #tpu.memory_space<semaphore_mem>>
    %dma_wait3A_72 = arith.constant 0 : i32
    %dma_wait3A_73 = arith.constant 0 : i32
    %dma_wait3A_74 = tpu.memref_slice %arg9[%rem3A_34, %dma_wait3A_72, %dma_wait3A_73] : memref<2x128x256xf32, #tpu.memory_space<vmem>> -> memref<1x64x256xf32, #tpu.memory_space<vmem>>
    %dma_wait3A_75 = tpu.memref_squeeze %dma_wait3A_74 : memref<1x64x256xf32, #tpu.memory_space<vmem>> -> memref<64x256xf32, #tpu.memory_space<vmem>>
    %dma_wait3A_76 = arith.constant 0 : i32
    %dma_wait3A_77 = tpu.memref_slice %arg4[%dma_wait3A_76, %min3A_37] : memref<64x1000000xf32, #tpu.memory_space<hbm>> -> memref<64x256xf32, #tpu.memory_space<hbm>>
    tpu.wait_dma2 semaphore(%dma_wait3A_71 : memref<!tpu.dma_semaphore, #tpu.memory_space<semaphore_mem>>) src(%dma_wait3A_77 : memref<64x256xf32, #tpu.memory_space<hbm>>) dst(%dma_wait3A_75 : memref<64x256xf32, #tpu.memory_space<vmem>>)
    %dma_wait3A_78 = arith.constant 64 : i32
    %dma_wait3A_79 = arith.constant 0 : i32
    %dma_wait3A_80 = tpu.memref_slice %arg9[%rem3A_34, %dma_wait3A_78, %dma_wait3A_79] : memref<2x128x256xf32, #tpu.memory_space<vmem>> -> memref<1x64x256xf32, #tpu.memory_space<vmem>>
    %dma_wait3A_81 = tpu.memref_squeeze %dma_wait3A_80 : memref<1x64x256xf32, #tpu.memory_space<vmem>> -> memref<64x256xf32, #tpu.memory_space<vmem>>
    %dma_wait3A_82 = arith.constant 0 : i32
    %dma_wait3A_83 = tpu.memref_slice %arg5[%dma_wait3A_82, %min3A_37] : memref<64x1000000xf32, #tpu.memory_space<hbm>> -> memref<64x256xf32, #tpu.memory_space<hbm>>
    %dma_wait3A_84 = tpu.memref_slice %arg12[%rem3A_34] : memref<2x!tpu.dma_semaphore, #tpu.memory_space<semaphore_mem>> -> memref<1x!tpu.dma_semaphore, #tpu.memory_space<semaphore_mem>>
    %dma_wait3A_85 = tpu.memref_squeeze %dma_wait3A_84 : memref<1x!tpu.dma_semaphore, #tpu.memory_space<semaphore_mem>> -> memref<!tpu.dma_semaphore, #tpu.memory_space<semaphore_mem>>
    %dma_wait3A_86 = arith.constant 64 : i32
    %dma_wait3A_87 = arith.constant 0 : i32
    %dma_wait3A_88 = tpu.memref_slice %arg9[%rem3A_34, %dma_wait3A_86, %dma_wait3A_87] : memref<2x128x256xf32, #tpu.memory_space<vmem>> -> memref<1x64x256xf32, #tpu.memory_space<vmem>>
    %dma_wait3A_89 = tpu.memref_squeeze %dma_wait3A_88 : memref<1x64x256xf32, #tpu.memory_space<vmem>> -> memref<64x256xf32, #tpu.memory_space<vmem>>
    %dma_wait3A_90 = arith.constant 0 : i32
    %dma_wait3A_91 = tpu.memref_slice %arg5[%dma_wait3A_90, %min3A_37] : memref<64x1000000xf32, #tpu.memory_space<hbm>> -> memref<64x256xf32, #tpu.memory_space<hbm>>
    tpu.wait_dma2 semaphore(%dma_wait3A_85 : memref<!tpu.dma_semaphore, #tpu.memory_space<semaphore_mem>>) src(%dma_wait3A_91 : memref<64x256xf32, #tpu.memory_space<hbm>>) dst(%dma_wait3A_89 : memref<64x256xf32, #tpu.memory_space<vmem>>)
    %add3A_92 = arith.constant 1 : i32
    %add3A_93 = arith.addi %shift_right_arithmetic3A_33, %add3A_92 : i32
    %rem3A_94 = arith.constant 2 : i32
    %rem3A_95 = arith.remsi %add3A_93, %rem3A_94 : i32
    %mul3A_96 = arith.constant 256 : i32
    %mul3A_97 = arith.muli %add3A_93, %mul3A_96 : i32
    %min3A_98 = arith.constant 999808 : i32
    %min3A_99 = arith.minsi %mul3A_97, %min3A_98 : i32
    %dma_start3A_100 = arith.constant 0 : i32
    %dma_start3A_101 = arith.constant 0 : i32
    %dma_start3A_102 = tpu.memref_slice %arg9[%rem3A_95, %dma_start3A_100, %dma_start3A_101] : memref<2x128x256xf32, #tpu.memory_space<vmem>> -> memref<1x64x256xf32, #tpu.memory_space<vmem>>
    %dma_start3A_103 = tpu.memref_squeeze %dma_start3A_102 : memref<1x64x256xf32, #tpu.memory_space<vmem>> -> memref<64x256xf32, #tpu.memory_space<vmem>>
    %dma_start3A_104 = arith.constant 0 : i32
    %dma_start3A_105 = tpu.memref_slice %arg4[%dma_start3A_104, %min3A_99] : memref<64x1000000xf32, #tpu.memory_space<hbm>> -> memref<64x256xf32, #tpu.memory_space<hbm>>
    %dma_start3A_106 = tpu.memref_slice %arg12[%rem3A_95] : memref<2x!tpu.dma_semaphore, #tpu.memory_space<semaphore_mem>> -> memref<1x!tpu.dma_semaphore, #tpu.memory_space<semaphore_mem>>
    %dma_start3A_107 = tpu.memref_squeeze %dma_start3A_106 : memref<1x!tpu.dma_semaphore, #tpu.memory_space<semaphore_mem>> -> memref<!tpu.dma_semaphore, #tpu.memory_space<semaphore_mem>>
    %dma_start3A_108 = arith.constant 0 : i32
    %dma_start3A_109 = arith.constant 0 : i32
    %dma_start3A_110 = tpu.memref_slice %arg9[%rem3A_95, %dma_start3A_108, %dma_start3A_109] : memref<2x128x256xf32, #tpu.memory_space<vmem>> -> memref<1x64x256xf32, #tpu.memory_space<vmem>>
    %dma_start3A_111 = tpu.memref_squeeze %dma_start3A_110 : memref<1x64x256xf32, #tpu.memory_space<vmem>> -> memref<64x256xf32, #tpu.memory_space<vmem>>
    %dma_start3A_112 = arith.constant 0 : i32
    %dma_start3A_113 = tpu.memref_slice %arg4[%dma_start3A_112, %min3A_99] : memref<64x1000000xf32, #tpu.memory_space<hbm>> -> memref<64x256xf32, #tpu.memory_space<hbm>>
    tpu.enqueue_dma source(%dma_start3A_113 : memref<64x256xf32, #tpu.memory_space<hbm>>) target(%dma_start3A_111 : memref<64x256xf32, #tpu.memory_space<vmem>>) target_semaphore(%dma_start3A_107 : memref<!tpu.dma_semaphore, #tpu.memory_space<semaphore_mem>>)
    %dma_start3A_114 = arith.constant 64 : i32
    %dma_start3A_115 = arith.constant 0 : i32
    %dma_start3A_116 = tpu.memref_slice %arg9[%rem3A_95, %dma_start3A_114, %dma_start3A_115] : memref<2x128x256xf32, #tpu.memory_space<vmem>> -> memref<1x64x256xf32, #tpu.memory_space<vmem>>
    %dma_start3A_117 = tpu.memref_squeeze %dma_start3A_116 : memref<1x64x256xf32, #tpu.memory_space<vmem>> -> memref<64x256xf32, #tpu.memory_space<vmem>>
    %dma_start3A_118 = arith.constant 0 : i32
    %dma_start3A_119 = tpu.memref_slice %arg5[%dma_start3A_118, %min3A_99] : memref<64x1000000xf32, #tpu.memory_space<hbm>> -> memref<64x256xf32, #tpu.memory_space<hbm>>
    %dma_start3A_120 = tpu.memref_slice %arg12[%rem3A_95] : memref<2x!tpu.dma_semaphore, #tpu.memory_space<semaphore_mem>> -> memref<1x!tpu.dma_semaphore, #tpu.memory_space<semaphore_mem>>
    %dma_start3A_121 = tpu.memref_squeeze %dma_start3A_120 : memref<1x!tpu.dma_semaphore, #tpu.memory_space<semaphore_mem>> -> memref<!tpu.dma_semaphore, #tpu.memory_space<semaphore_mem>>
    %dma_start3A_122 = arith.constant 64 : i32
    %dma_start3A_123 = arith.constant 0 : i32
    %dma_start3A_124 = tpu.memref_slice %arg9[%rem3A_95, %dma_start3A_122, %dma_start3A_123] : memref<2x128x256xf32, #tpu.memory_space<vmem>> -> memref<1x64x256xf32, #tpu.memory_space<vmem>>
    %dma_start3A_125 = tpu.memref_squeeze %dma_start3A_124 : memref<1x64x256xf32, #tpu.memory_space<vmem>> -> memref<64x256xf32, #tpu.memory_space<vmem>>
    %dma_start3A_126 = arith.constant 0 : i32
    %dma_start3A_127 = tpu.memref_slice %arg5[%dma_start3A_126, %min3A_99] : memref<64x1000000xf32, #tpu.memory_space<hbm>> -> memref<64x256xf32, #tpu.memory_space<hbm>>
    tpu.enqueue_dma source(%dma_start3A_127 : memref<64x256xf32, #tpu.memory_space<hbm>>) target(%dma_start3A_125 : memref<64x256xf32, #tpu.memory_space<vmem>>) target_semaphore(%dma_start3A_121 : memref<!tpu.dma_semaphore, #tpu.memory_space<semaphore_mem>>)
    %scan3A = arith.constant 0 : i32
    %scan3A_128 = arith.constant 400 : i32
    %scan3A_129 = arith.addi %scan3A, %scan3A_128 : i32
    %scan3A_130 = arith.constant 1 : i32
    %scan3A_131 = scf.for %scan3A_189 = %scan3A to %scan3A_129 step %scan3A_130 iter_args(%scan3A_190 = %shift_right_arithmetic3A_33) -> (i32)  : i32 {
      %mul3A_191 = arith.constant 16 : i32
      %mul3A_192 = arith.muli %scan3A_189, %mul3A_191 : i32
      %shift_right_arithmetic3A_193 = arith.constant 2 : i32
      %shift_right_arithmetic3A_194 = arith.shrsi %scan3A_189, %shift_right_arithmetic3A_193 : i32
      %and3A = arith.constant 1 : i32
      %and3A_195 = arith.andi %shift_right_arithmetic3A_194, %and3A : i32
      %and3A_196 = arith.constant 63 : i32
      %and3A_197 = arith.andi %mul3A_192, %and3A_196 : i32
      %get3A_198 = arith.index_cast %mul3A_192 : i32 to index
      %get3A_199 = tpu.vector_load %arg7[%get3A_198] {strides = array<i32>} : memref<6416xi32, #tpu.memory_space<vmem>>, vector<16xi32>,
      %shift_right_arithmetic3A_200 = arith.constant 8 : i32
      %shift_right_arithmetic3A_201 = vector.broadcast %shift_right_arithmetic3A_200 : i32 to vector<16xi32>
      %shift_right_arithmetic3A_202 = arith.shrsi %get3A_199, %shift_right_arithmetic3A_201 : vector<16xi32>
      %slice3A_203 = vector.extract_strided_slice %shift_right_arithmetic3A_202 {offsets = [15], sizes = [1], strides = [1]} : vector<16xi32> to vector<1xi32>
      %squeeze3A_204 = vector.extract %slice3A_203[0] : i32 from vector<1xi32>
      %and3A_205 = arith.constant 3 : i32
      %and3A_206 = arith.andi %scan3A_189, %and3A_205 : i32
      %eq3A = arith.constant 0 : i32
      %eq3A_207 = arith.cmpi eq, %and3A_206, %eq3A : i32
      %ge3A = arith.constant 2 : i32
      %ge3A_208 = arith.cmpi sge, %shift_right_arithmetic3A_194, %ge3A : i32
      %and3A_209 = arith.andi %eq3A_207, %ge3A_208 : i1
      %convert_element_type3A = arith.extui %and3A_209 : i1 to i32
      %cond3A = arith.constant 0 : i32
      %cond3A_210 = arith.cmpi ne, %convert_element_type3A, %cond3A : i32
      scf.if %cond3A_210 {
        %dma_wait3A_224 = arith.constant 0 : i32
        %dma_wait3A_225 = arith.constant 0 : i32
        %dma_wait3A_226 = tpu.memref_slice %arg10[%and3A_195, %dma_wait3A_224, %dma_wait3A_225] : memref<2x64x128xf32, #tpu.memory_space<vmem>> -> memref<1x64x128xf32, #tpu.memory_space<vmem>>
        %dma_wait3A_227 = tpu.memref_squeeze %dma_wait3A_226 : memref<1x64x128xf32, #tpu.memory_space<vmem>> -> memref<64x128xf32, #tpu.memory_space<vmem>>
        %dma_wait3A_228 = arith.constant 0 : i32
        %dma_wait3A_229 = arith.constant 0 : i32
        %dma_wait3A_230 = tpu.memref_slice %arg6[%dma_wait3A_228, %dma_wait3A_229] : memref<204800x128xf32, #tpu.memory_space<hbm>> -> memref<64x128xf32, #tpu.memory_space<hbm>>
        %dma_wait3A_231 = tpu.memref_slice %arg13[%and3A_195] : memref<2x!tpu.dma_semaphore, #tpu.memory_space<semaphore_mem>> -> memref<1x!tpu.dma_semaphore, #tpu.memory_space<semaphore_mem>>
        %dma_wait3A_232 = tpu.memref_squeeze %dma_wait3A_231 : memref<1x!tpu.dma_semaphore, #tpu.memory_space<semaphore_mem>> -> memref<!tpu.dma_semaphore, #tpu.memory_space<semaphore_mem>>
        %dma_wait3A_233 = arith.constant 0 : i32
        %dma_wait3A_234 = arith.constant 0 : i32
        %dma_wait3A_235 = tpu.memref_slice %arg10[%and3A_195, %dma_wait3A_233, %dma_wait3A_234] : memref<2x64x128xf32, #tpu.memory_space<vmem>> -> memref<1x64x128xf32, #tpu.memory_space<vmem>>
        %dma_wait3A_236 = tpu.memref_squeeze %dma_wait3A_235 : memref<1x64x128xf32, #tpu.memory_space<vmem>> -> memref<64x128xf32, #tpu.memory_space<vmem>>
        %dma_wait3A_237 = arith.constant 0 : i32
        %dma_wait3A_238 = arith.constant 0 : i32
        %dma_wait3A_239 = tpu.memref_slice %arg6[%dma_wait3A_237, %dma_wait3A_238] : memref<204800x128xf32, #tpu.memory_space<hbm>> -> memref<64x128xf32, #tpu.memory_space<hbm>>
        tpu.wait_dma2 semaphore(%dma_wait3A_232 : memref<!tpu.dma_semaphore, #tpu.memory_space<semaphore_mem>>) src(%dma_wait3A_239 : memref<64x128xf32, #tpu.memory_space<hbm>>) dst(%dma_wait3A_236 : memref<64x128xf32, #tpu.memory_space<vmem>>)
      } else {
      }
      %scan3A_211 = arith.constant 0 : i32
      %scan3A_212 = arith.constant 16 : i32
      %scan3A_213 = arith.addi %scan3A_211, %scan3A_212 : i32
      %scan3A_214 = arith.constant 1 : i32
      %scan3A_215 = scf.for %scan3A_224 = %scan3A_211 to %scan3A_213 step %scan3A_214 iter_args(%scan3A_225 = %scan3A_190) -> (i32)  : i32 {
        %add3A_226 = arith.addi %mul3A_192, %scan3A_224 : i32
        %get3A_227 = arith.index_cast %add3A_226 : i32 to index
        %get3A_228 = tpu.vector_load %arg7[%get3A_227] {strides = array<i32>} : memref<6416xi32, #tpu.memory_space<vmem>>, vector<16xi32>,
        %slice3A_229 = vector.extract_strided_slice %get3A_228 {offsets = [0], sizes = [1], strides = [1]} : vector<16xi32> to vector<1xi32>
        %squeeze3A_230 = vector.extract %slice3A_229[0] : i32 from vector<1xi32>
        %shift_right_arithmetic3A_231 = arith.constant 8 : i32
        %shift_right_arithmetic3A_232 = arith.shrsi %squeeze3A_230, %shift_right_arithmetic3A_231 : i32
        %ne3A = arith.cmpi ne, %shift_right_arithmetic3A_232, %scan3A_225 : i32
        %add3A_233 = arith.constant 1 : i32
        %add3A_234 = arith.addi %scan3A_225, %add3A_233 : i32
        %ne3A_235 = arith.cmpi ne, %shift_right_arithmetic3A_232, %add3A_234 : i32
        %not3A = arith.constant true
        %not3A_236 = arith.xori %ne3A_235, %not3A : i1
        %and3A_237 = arith.andi %ne3A, %not3A_236 : i1
        %convert_element_type3A_238 = arith.extui %and3A_237 : i1 to i32
        %cond3A_239 = arith.constant 0 : i32
        %cond3A_240 = arith.cmpi ne, %convert_element_type3A_238, %cond3A_239 : i32
        scf.if %cond3A_240 {
          %rem3A_328 = arith.constant 2 : i32
          %rem3A_329 = arith.remsi %shift_right_arithmetic3A_232, %rem3A_328 : i32
          %dma_wait3A_330 = arith.constant 0 : i32
          %dma_wait3A_331 = arith.constant 0 : i32
          %dma_wait3A_332 = tpu.memref_slice %arg9[%rem3A_329, %dma_wait3A_330, %dma_wait3A_331] : memref<2x128x256xf32, #tpu.memory_space<vmem>> -> memref<1x128x256xf32, #tpu.memory_space<vmem>>
          %dma_wait3A_333 = tpu.memref_squeeze %dma_wait3A_332 : memref<1x128x256xf32, #tpu.memory_space<vmem>> -> memref<128x256xf32, #tpu.memory_space<vmem>>
          %dma_wait3A_334 = arith.constant 0 : i32
          %dma_wait3A_335 = arith.constant 0 : i32
          %dma_wait3A_336 = tpu.memref_slice %arg4[%dma_wait3A_334, %dma_wait3A_335] : memref<64x1000000xf32, #tpu.memory_space<hbm>> -> memref<64x256xf32, #tpu.memory_space<hbm>>
          %dma_wait3A_337 = tpu.memref_slice %arg12[%rem3A_329] : memref<2x!tpu.dma_semaphore, #tpu.memory_space<semaphore_mem>> -> memref<1x!tpu.dma_semaphore, #tpu.memory_space<semaphore_mem>>
          %dma_wait3A_338 = tpu.memref_squeeze %dma_wait3A_337 : memref<1x!tpu.dma_semaphore, #tpu.memory_space<semaphore_mem>> -> memref<!tpu.dma_semaphore, #tpu.memory_space<semaphore_mem>>
          %dma_wait3A_339 = arith.constant 0 : i32
          %dma_wait3A_340 = arith.constant 0 : i32
          %dma_wait3A_341 = tpu.memref_slice %arg9[%rem3A_329, %dma_wait3A_339, %dma_wait3A_340] : memref<2x128x256xf32, #tpu.memory_space<vmem>> -> memref<1x128x256xf32, #tpu.memory_space<vmem>>
          %dma_wait3A_342 = tpu.memref_squeeze %dma_wait3A_341 : memref<1x128x256xf32, #tpu.memory_space<vmem>> -> memref<128x256xf32, #tpu.memory_space<vmem>>
          %dma_wait3A_343 = arith.constant 0 : i32
          %dma_wait3A_344 = arith.constant 0 : i32
          %dma_wait3A_345 = tpu.memref_slice %arg4[%dma_wait3A_343, %dma_wait3A_344] : memref<64x1000000xf32, #tpu.memory_space<hbm>> -> memref<64x256xf32, #tpu.memory_space<hbm>>
          tpu.wait_dma2 semaphore(%dma_wait3A_338 : memref<!tpu.dma_semaphore, #tpu.memory_space<semaphore_mem>>) src(%dma_wait3A_345 : memref<64x256xf32, #tpu.memory_space<hbm>>) dst(%dma_wait3A_342 : memref<128x256xf32, #tpu.memory_space<vmem>>)
          %add3A_346 = arith.constant 2 : i32
          %add3A_347 = arith.addi %shift_right_arithmetic3A_232, %add3A_346 : i32
          %sub3A_348 = arith.constant 1 : i32
          %sub3A_349 = arith.subi %add3A_347, %sub3A_348 : i32
          %rem3A_350 = arith.constant 2 : i32
          %rem3A_351 = arith.remsi %sub3A_349, %rem3A_350 : i32
          %mul3A_352 = arith.constant 256 : i32
          %mul3A_353 = arith.muli %sub3A_349, %mul3A_352 : i32
          %min3A_354 = arith.constant 999808 : i32
          %min3A_355 = arith.minsi %mul3A_353, %min3A_354 : i32
          %dma_start3A_356 = arith.constant 0 : i32
          %dma_start3A_357 = arith.constant 0 : i32
          %dma_start3A_358 = tpu.memref_slice %arg9[%rem3A_351, %dma_start3A_356, %dma_start3A_357] : memref<2x128x256xf32, #tpu.memory_space<vmem>> -> memref<1x64x256xf32, #tpu.memory_space<vmem>>
          %dma_start3A_359 = tpu.memref_squeeze %dma_start3A_358 : memref<1x64x256xf32, #tpu.memory_space<vmem>> -> memref<64x256xf32, #tpu.memory_space<vmem>>
          %dma_start3A_360 = arith.constant 0 : i32
          %dma_start3A_361 = tpu.memref_slice %arg4[%dma_start3A_360, %min3A_355] : memref<64x1000000xf32, #tpu.memory_space<hbm>> -> memref<64x256xf32, #tpu.memory_space<hbm>>
          %dma_start3A_362 = tpu.memref_slice %arg12[%rem3A_351] : memref<2x!tpu.dma_semaphore, #tpu.memory_space<semaphore_mem>> -> memref<1x!tpu.dma_semaphore, #tpu.memory_space<semaphore_mem>>
          %dma_start3A_363 = tpu.memref_squeeze %dma_start3A_362 : memref<1x!tpu.dma_semaphore, #tpu.memory_space<semaphore_mem>> -> memref<!tpu.dma_semaphore, #tpu.memory_space<semaphore_mem>>
          %dma_start3A_364 = arith.constant 0 : i32
          %dma_start3A_365 = arith.constant 0 : i32
          %dma_start3A_366 = tpu.memref_slice %arg9[%rem3A_351, %dma_start3A_364, %dma_start3A_365] : memref<2x128x256xf32, #tpu.memory_space<vmem>> -> memref<1x64x256xf32, #tpu.memory_space<vmem>>
          %dma_start3A_367 = tpu.memref_squeeze %dma_start3A_366 : memref<1x64x256xf32, #tpu.memory_space<vmem>> -> memref<64x256xf32, #tpu.memory_space<vmem>>
          %dma_start3A_368 = arith.constant 0 : i32
          %dma_start3A_369 = tpu.memref_slice %arg4[%dma_start3A_368, %min3A_355] : memref<64x1000000xf32, #tpu.memory_space<hbm>> -> memref<64x256xf32, #tpu.memory_space<hbm>>
          tpu.enqueue_dma source(%dma_start3A_369 : memref<64x256xf32, #tpu.memory_space<hbm>>) target(%dma_start3A_367 : memref<64x256xf32, #tpu.memory_space<vmem>>) target_semaphore(%dma_start3A_363 : memref<!tpu.dma_semaphore, #tpu.memory_space<semaphore_mem>>)
          %dma_start3A_370 = arith.constant 64 : i32
          %dma_start3A_371 = arith.constant 0 : i32
          %dma_start3A_372 = tpu.memref_slice %arg9[%rem3A_351, %dma_start3A_370, %dma_start3A_371] : memref<2x128x256xf32, #tpu.memory_space<vmem>> -> memref<1x64x256xf32, #tpu.memory_space<vmem>>
          %dma_start3A_373 = tpu.memref_squeeze %dma_start3A_372 : memref<1x64x256xf32, #tpu.memory_space<vmem>> -> memref<64x256xf32, #tpu.memory_space<vmem>>
          %dma_start3A_374 = arith.constant 0 : i32
          %dma_start3A_375 = tpu.memref_slice %arg5[%dma_start3A_374, %min3A_355] : memref<64x1000000xf32, #tpu.memory_space<hbm>> -> memref<64x256xf32, #tpu.memory_space<hbm>>
          %dma_start3A_376 = tpu.memref_slice %arg12[%rem3A_351] : memref<2x!tpu.dma_semaphore, #tpu.memory_space<semaphore_mem>> -> memref<1x!tpu.dma_semaphore, #tpu.memory_space<semaphore_mem>>
          %dma_start3A_377 = tpu.memref_squeeze %dma_start3A_376 : memref<1x!tpu.dma_semaphore, #tpu.memory_space<semaphore_mem>> -> memref<!tpu.dma_semaphore, #tpu.memory_space<semaphore_mem>>
          %dma_start3A_378 = arith.constant 64 : i32
          %dma_start3A_379 = arith.constant 0 : i32
          %dma_start3A_380 = tpu.memref_slice %arg9[%rem3A_351, %dma_start3A_378, %dma_start3A_379] : memref<2x128x256xf32, #tpu.memory_space<vmem>> -> memref<1x64x256xf32, #tpu.memory_space<vmem>>
          %dma_start3A_381 = tpu.memref_squeeze %dma_start3A_380 : memref<1x64x256xf32, #tpu.memory_space<vmem>> -> memref<64x256xf32, #tpu.memory_space<vmem>>
          %dma_start3A_382 = arith.constant 0 : i32
          %dma_start3A_383 = tpu.memref_slice %arg5[%dma_start3A_382, %min3A_355] : memref<64x1000000xf32, #tpu.memory_space<hbm>> -> memref<64x256xf32, #tpu.memory_space<hbm>>
          tpu.enqueue_dma source(%dma_start3A_383 : memref<64x256xf32, #tpu.memory_space<hbm>>) target(%dma_start3A_381 : memref<64x256xf32, #tpu.memory_space<vmem>>) target_semaphore(%dma_start3A_377 : memref<!tpu.dma_semaphore, #tpu.memory_space<semaphore_mem>>)
        } else {
        }
        %and3A_241 = arith.andi %ne3A, %ne3A_235 : i1
        %convert_element_type3A_242 = arith.extui %and3A_241 : i1 to i32
        %cond3A_243 = arith.constant 0 : i32
        %cond3A_244 = arith.cmpi ne, %convert_element_type3A_242, %cond3A_243 : i32
        scf.if %cond3A_244 {
          %add3A_328 = arith.constant 1 : i32
          %add3A_329 = arith.addi %scan3A_225, %add3A_328 : i32
          %rem3A_330 = arith.constant 2 : i32
          %rem3A_331 = arith.remsi %add3A_329, %rem3A_330 : i32
          %dma_wait3A_332 = arith.constant 0 : i32
          %dma_wait3A_333 = arith.constant 0 : i32
          %dma_wait3A_334 = tpu.memref_slice %arg9[%rem3A_331, %dma_wait3A_332, %dma_wait3A_333] : memref<2x128x256xf32, #tpu.memory_space<vmem>> -> memref<1x128x256xf32, #tpu.memory_space<vmem>>
          %dma_wait3A_335 = tpu.memref_squeeze %dma_wait3A_334 : memref<1x128x256xf32, #tpu.memory_space<vmem>> -> memref<128x256xf32, #tpu.memory_space<vmem>>
          %dma_wait3A_336 = arith.constant 0 : i32
          %dma_wait3A_337 = arith.constant 0 : i32
          %dma_wait3A_338 = tpu.memref_slice %arg4[%dma_wait3A_336, %dma_wait3A_337] : memref<64x1000000xf32, #tpu.memory_space<hbm>> -> memref<64x256xf32, #tpu.memory_space<hbm>>
          %dma_wait3A_339 = tpu.memref_slice %arg12[%rem3A_331] : memref<2x!tpu.dma_semaphore, #tpu.memory_space<semaphore_mem>> -> memref<1x!tpu.dma_semaphore, #tpu.memory_space<semaphore_mem>>
          %dma_wait3A_340 = tpu.memref_squeeze %dma_wait3A_339 : memref<1x!tpu.dma_semaphore, #tpu.memory_space<semaphore_mem>> -> memref<!tpu.dma_semaphore, #tpu.memory_space<semaphore_mem>>
          %dma_wait3A_341 = arith.constant 0 : i32
          %dma_wait3A_342 = arith.constant 0 : i32
          %dma_wait3A_343 = tpu.memref_slice %arg9[%rem3A_331, %dma_wait3A_341, %dma_wait3A_342] : memref<2x128x256xf32, #tpu.memory_space<vmem>> -> memref<1x128x256xf32, #tpu.memory_space<vmem>>
          %dma_wait3A_344 = tpu.memref_squeeze %dma_wait3A_343 : memref<1x128x256xf32, #tpu.memory_space<vmem>> -> memref<128x256xf32, #tpu.memory_space<vmem>>
          %dma_wait3A_345 = arith.constant 0 : i32
          %dma_wait3A_346 = arith.constant 0 : i32
          %dma_wait3A_347 = tpu.memref_slice %arg4[%dma_wait3A_345, %dma_wait3A_346] : memref<64x1000000xf32, #tpu.memory_space<hbm>> -> memref<64x256xf32, #tpu.memory_space<hbm>>
          tpu.wait_dma2 semaphore(%dma_wait3A_340 : memref<!tpu.dma_semaphore, #tpu.memory_space<semaphore_mem>>) src(%dma_wait3A_347 : memref<64x256xf32, #tpu.memory_space<hbm>>) dst(%dma_wait3A_344 : memref<128x256xf32, #tpu.memory_space<vmem>>)
          %rem3A_348 = arith.constant 2 : i32
          %rem3A_349 = arith.remsi %shift_right_arithmetic3A_232, %rem3A_348 : i32
          %mul3A_350 = arith.constant 256 : i32
          %mul3A_351 = arith.muli %shift_right_arithmetic3A_232, %mul3A_350 : i32
          %min3A_352 = arith.constant 999808 : i32
          %min3A_353 = arith.minsi %mul3A_351, %min3A_352 : i32
          %dma_start3A_354 = arith.constant 0 : i32
          %dma_start3A_355 = arith.constant 0 : i32
          %dma_start3A_356 = tpu.memref_slice %arg9[%rem3A_349, %dma_start3A_354, %dma_start3A_355] : memref<2x128x256xf32, #tpu.memory_space<vmem>> -> memref<1x64x256xf32, #tpu.memory_space<vmem>>
          %dma_start3A_357 = tpu.memref_squeeze %dma_start3A_356 : memref<1x64x256xf32, #tpu.memory_space<vmem>> -> memref<64x256xf32, #tpu.memory_space<vmem>>
          %dma_start3A_358 = arith.constant 0 : i32
          %dma_start3A_359 = tpu.memref_slice %arg4[%dma_start3A_358, %min3A_353] : memref<64x1000000xf32, #tpu.memory_space<hbm>> -> memref<64x256xf32, #tpu.memory_space<hbm>>
          %dma_start3A_360 = tpu.memref_slice %arg12[%rem3A_349] : memref<2x!tpu.dma_semaphore, #tpu.memory_space<semaphore_mem>> -> memref<1x!tpu.dma_semaphore, #tpu.memory_space<semaphore_mem>>
          %dma_start3A_361 = tpu.memref_squeeze %dma_start3A_360 : memref<1x!tpu.dma_semaphore, #tpu.memory_space<semaphore_mem>> -> memref<!tpu.dma_semaphore, #tpu.memory_space<semaphore_mem>>
          %dma_start3A_362 = arith.constant 0 : i32
          %dma_start3A_363 = arith.constant 0 : i32
          %dma_start3A_364 = tpu.memref_slice %arg9[%rem3A_349, %dma_start3A_362, %dma_start3A_363] : memref<2x128x256xf32, #tpu.memory_space<vmem>> -> memref<1x64x256xf32, #tpu.memory_space<vmem>>
          %dma_start3A_365 = tpu.memref_squeeze %dma_start3A_364 : memref<1x64x256xf32, #tpu.memory_space<vmem>> -> memref<64x256xf32, #tpu.memory_space<vmem>>
          %dma_start3A_366 = arith.constant 0 : i32
          %dma_start3A_367 = tpu.memref_slice %arg4[%dma_start3A_366, %min3A_353] : memref<64x1000000xf32, #tpu.memory_space<hbm>> -> memref<64x256xf32, #tpu.memory_space<hbm>>
          tpu.enqueue_dma source(%dma_start3A_367 : memref<64x256xf32, #tpu.memory_space<hbm>>) target(%dma_start3A_365 : memref<64x256xf32, #tpu.memory_space<vmem>>) target_semaphore(%dma_start3A_361 : memref<!tpu.dma_semaphore, #tpu.memory_space<semaphore_mem>>)
          %dma_start3A_368 = arith.constant 64 : i32
          %dma_start3A_369 = arith.constant 0 : i32
          %dma_start3A_370 = tpu.memref_slice %arg9[%rem3A_349, %dma_start3A_368, %dma_start3A_369] : memref<2x128x256xf32, #tpu.memory_space<vmem>> -> memref<1x64x256xf32, #tpu.memory_space<vmem>>
          %dma_start3A_371 = tpu.memref_squeeze %dma_start3A_370 : memref<1x64x256xf32, #tpu.memory_space<vmem>> -> memref<64x256xf32, #tpu.memory_space<vmem>>
          %dma_start3A_372 = arith.constant 0 : i32
          %dma_start3A_373 = tpu.memref_slice %arg5[%dma_start3A_372, %min3A_353] : memref<64x1000000xf32, #tpu.memory_space<hbm>> -> memref<64x256xf32, #tpu.memory_space<hbm>>
          %dma_start3A_374 = tpu.memref_slice %arg12[%rem3A_349] : memref<2x!tpu.dma_semaphore, #tpu.memory_space<semaphore_mem>> -> memref<1x!tpu.dma_semaphore, #tpu.memory_space<semaphore_mem>>
          %dma_start3A_375 = tpu.memref_squeeze %dma_start3A_374 : memref<1x!tpu.dma_semaphore, #tpu.memory_space<semaphore_mem>> -> memref<!tpu.dma_semaphore, #tpu.memory_space<semaphore_mem>>
          %dma_start3A_376 = arith.constant 64 : i32
          %dma_start3A_377 = arith.constant 0 : i32
          %dma_start3A_378 = tpu.memref_slice %arg9[%rem3A_349, %dma_start3A_376, %dma_start3A_377] : memref<2x128x256xf32, #tpu.memory_space<vmem>> -> memref<1x64x256xf32, #tpu.memory_space<vmem>>
          %dma_start3A_379 = tpu.memref_squeeze %dma_start3A_378 : memref<1x64x256xf32, #tpu.memory_space<vmem>> -> memref<64x256xf32, #tpu.memory_space<vmem>>
          %dma_start3A_380 = arith.constant 0 : i32
          %dma_start3A_381 = tpu.memref_slice %arg5[%dma_start3A_380, %min3A_353] : memref<64x1000000xf32, #tpu.memory_space<hbm>> -> memref<64x256xf32, #tpu.memory_space<hbm>>
          tpu.enqueue_dma source(%dma_start3A_381 : memref<64x256xf32, #tpu.memory_space<hbm>>) target(%dma_start3A_379 : memref<64x256xf32, #tpu.memory_space<vmem>>) target_semaphore(%dma_start3A_375 : memref<!tpu.dma_semaphore, #tpu.memory_space<semaphore_mem>>)
          %dma_wait3A_382 = arith.constant 0 : i32
          %dma_wait3A_383 = arith.constant 0 : i32
          %dma_wait3A_384 = tpu.memref_slice %arg9[%rem3A_349, %dma_wait3A_382, %dma_wait3A_383] : memref<2x128x256xf32, #tpu.memory_space<vmem>> -> memref<1x64x256xf32, #tpu.memory_space<vmem>>
          %dma_wait3A_385 = tpu.memref_squeeze %dma_wait3A_384 : memref<1x64x256xf32, #tpu.memory_space<vmem>> -> memref<64x256xf32, #tpu.memory_space<vmem>>
          %dma_wait3A_386 = arith.constant 0 : i32
          %dma_wait3A_387 = tpu.memref_slice %arg4[%dma_wait3A_386, %min3A_353] : memref<64x1000000xf32, #tpu.memory_space<hbm>> -> memref<64x256xf32, #tpu.memory_space<hbm>>
          %dma_wait3A_388 = tpu.memref_slice %arg12[%rem3A_349] : memref<2x!tpu.dma_semaphore, #tpu.memory_space<semaphore_mem>> -> memref<1x!tpu.dma_semaphore, #tpu.memory_space<semaphore_mem>>
          %dma_wait3A_389 = tpu.memref_squeeze %dma_wait3A_388 : memref<1x!tpu.dma_semaphore, #tpu.memory_space<semaphore_mem>> -> memref<!tpu.dma_semaphore, #tpu.memory_space<semaphore_mem>>
          %dma_wait3A_390 = arith.constant 0 : i32
          %dma_wait3A_391 = arith.constant 0 : i32
          %dma_wait3A_392 = tpu.memref_slice %arg9[%rem3A_349, %dma_wait3A_390, %dma_wait3A_391] : memref<2x128x256xf32, #tpu.memory_space<vmem>> -> memref<1x64x256xf32, #tpu.memory_space<vmem>>
          %dma_wait3A_393 = tpu.memref_squeeze %dma_wait3A_392 : memref<1x64x256xf32, #tpu.memory_space<vmem>> -> memref<64x256xf32, #tpu.memory_space<vmem>>
          %dma_wait3A_394 = arith.constant 0 : i32
          %dma_wait3A_395 = tpu.memref_slice %arg4[%dma_wait3A_394, %min3A_353] : memref<64x1000000xf32, #tpu.memory_space<hbm>> -> memref<64x256xf32, #tpu.memory_space<hbm>>
          tpu.wait_dma2 semaphore(%dma_wait3A_389 : memref<!tpu.dma_semaphore, #tpu.memory_space<semaphore_mem>>) src(%dma_wait3A_395 : memref<64x256xf32, #tpu.memory_space<hbm>>) dst(%dma_wait3A_393 : memref<64x256xf32, #tpu.memory_space<vmem>>)
          %dma_wait3A_396 = arith.constant 64 : i32
          %dma_wait3A_397 = arith.constant 0 : i32
          %dma_wait3A_398 = tpu.memref_slice %arg9[%rem3A_349, %dma_wait3A_396, %dma_wait3A_397] : memref<2x128x256xf32, #tpu.memory_space<vmem>> -> memref<1x64x256xf32, #tpu.memory_space<vmem>>
          %dma_wait3A_399 = tpu.memref_squeeze %dma_wait3A_398 : memref<1x64x256xf32, #tpu.memory_space<vmem>> -> memref<64x256xf32, #tpu.memory_space<vmem>>
          %dma_wait3A_400 = arith.constant 0 : i32
          %dma_wait3A_401 = tpu.memref_slice %arg5[%dma_wait3A_400, %min3A_353] : memref<64x1000000xf32, #tpu.memory_space<hbm>> -> memref<64x256xf32, #tpu.memory_space<hbm>>
          %dma_wait3A_402 = tpu.memref_slice %arg12[%rem3A_349] : memref<2x!tpu.dma_semaphore, #tpu.memory_space<semaphore_mem>> -> memref<1x!tpu.dma_semaphore, #tpu.memory_space<semaphore_mem>>
          %dma_wait3A_403 = tpu.memref_squeeze %dma_wait3A_402 : memref<1x!tpu.dma_semaphore, #tpu.memory_space<semaphore_mem>> -> memref<!tpu.dma_semaphore, #tpu.memory_space<semaphore_mem>>
          %dma_wait3A_404 = arith.constant 64 : i32
          %dma_wait3A_405 = arith.constant 0 : i32
          %dma_wait3A_406 = tpu.memref_slice %arg9[%rem3A_349, %dma_wait3A_404, %dma_wait3A_405] : memref<2x128x256xf32, #tpu.memory_space<vmem>> -> memref<1x64x256xf32, #tpu.memory_space<vmem>>
          %dma_wait3A_407 = tpu.memref_squeeze %dma_wait3A_406 : memref<1x64x256xf32, #tpu.memory_space<vmem>> -> memref<64x256xf32, #tpu.memory_space<vmem>>
          %dma_wait3A_408 = arith.constant 0 : i32
          %dma_wait3A_409 = tpu.memref_slice %arg5[%dma_wait3A_408, %min3A_353] : memref<64x1000000xf32, #tpu.memory_space<hbm>> -> memref<64x256xf32, #tpu.memory_space<hbm>>
          tpu.wait_dma2 semaphore(%dma_wait3A_403 : memref<!tpu.dma_semaphore, #tpu.memory_space<semaphore_mem>>) src(%dma_wait3A_409 : memref<64x256xf32, #tpu.memory_space<hbm>>) dst(%dma_wait3A_407 : memref<64x256xf32, #tpu.memory_space<vmem>>)
          %add3A_410 = arith.constant 1 : i32
          %add3A_411 = arith.addi %shift_right_arithmetic3A_232, %add3A_410 : i32
          %rem3A_412 = arith.constant 2 : i32
          %rem3A_413 = arith.remsi %add3A_411, %rem3A_412 : i32
          %mul3A_414 = arith.constant 256 : i32
          %mul3A_415 = arith.muli %add3A_411, %mul3A_414 : i32
          %min3A_416 = arith.constant 999808 : i32
          %min3A_417 = arith.minsi %mul3A_415, %min3A_416 : i32
          %dma_start3A_418 = arith.constant 0 : i32
          %dma_start3A_419 = arith.constant 0 : i32
          %dma_start3A_420 = tpu.memref_slice %arg9[%rem3A_413, %dma_start3A_418, %dma_start3A_419] : memref<2x128x256xf32, #tpu.memory_space<vmem>> -> memref<1x64x256xf32, #tpu.memory_space<vmem>>
          %dma_start3A_421 = tpu.memref_squeeze %dma_start3A_420 : memref<1x64x256xf32, #tpu.memory_space<vmem>> -> memref<64x256xf32, #tpu.memory_space<vmem>>
          %dma_start3A_422 = arith.constant 0 : i32
          %dma_start3A_423 = tpu.memref_slice %arg4[%dma_start3A_422, %min3A_417] : memref<64x1000000xf32, #tpu.memory_space<hbm>> -> memref<64x256xf32, #tpu.memory_space<hbm>>
          %dma_start3A_424 = tpu.memref_slice %arg12[%rem3A_413] : memref<2x!tpu.dma_semaphore, #tpu.memory_space<semaphore_mem>> -> memref<1x!tpu.dma_semaphore, #tpu.memory_space<semaphore_mem>>
          %dma_start3A_425 = tpu.memref_squeeze %dma_start3A_424 : memref<1x!tpu.dma_semaphore, #tpu.memory_space<semaphore_mem>> -> memref<!tpu.dma_semaphore, #tpu.memory_space<semaphore_mem>>
          %dma_start3A_426 = arith.constant 0 : i32
          %dma_start3A_427 = arith.constant 0 : i32
          %dma_start3A_428 = tpu.memref_slice %arg9[%rem3A_413, %dma_start3A_426, %dma_start3A_427] : memref<2x128x256xf32, #tpu.memory_space<vmem>> -> memref<1x64x256xf32, #tpu.memory_space<vmem>>
          %dma_start3A_429 = tpu.memref_squeeze %dma_start3A_428 : memref<1x64x256xf32, #tpu.memory_space<vmem>> -> memref<64x256xf32, #tpu.memory_space<vmem>>
          %dma_start3A_430 = arith.constant 0 : i32
          %dma_start3A_431 = tpu.memref_slice %arg4[%dma_start3A_430, %min3A_417] : memref<64x1000000xf32, #tpu.memory_space<hbm>> -> memref<64x256xf32, #tpu.memory_space<hbm>>
          tpu.enqueue_dma source(%dma_start3A_431 : memref<64x256xf32, #tpu.memory_space<hbm>>) target(%dma_start3A_429 : memref<64x256xf32, #tpu.memory_space<vmem>>) target_semaphore(%dma_start3A_425 : memref<!tpu.dma_semaphore, #tpu.memory_space<semaphore_mem>>)
          %dma_start3A_432 = arith.constant 64 : i32
          %dma_start3A_433 = arith.constant 0 : i32
          %dma_start3A_434 = tpu.memref_slice %arg9[%rem3A_413, %dma_start3A_432, %dma_start3A_433] : memref<2x128x256xf32, #tpu.memory_space<vmem>> -> memref<1x64x256xf32, #tpu.memory_space<vmem>>
          %dma_start3A_435 = tpu.memref_squeeze %dma_start3A_434 : memref<1x64x256xf32, #tpu.memory_space<vmem>> -> memref<64x256xf32, #tpu.memory_space<vmem>>
          %dma_start3A_436 = arith.constant 0 : i32
          %dma_start3A_437 = tpu.memref_slice %arg5[%dma_start3A_436, %min3A_417] : memref<64x1000000xf32, #tpu.memory_space<hbm>> -> memref<64x256xf32, #tpu.memory_space<hbm>>
          %dma_start3A_438 = tpu.memref_slice %arg12[%rem3A_413] : memref<2x!tpu.dma_semaphore, #tpu.memory_space<semaphore_mem>> -> memref<1x!tpu.dma_semaphore, #tpu.memory_space<semaphore_mem>>
          %dma_start3A_439 = tpu.memref_squeeze %dma_start3A_438 : memref<1x!tpu.dma_semaphore, #tpu.memory_space<semaphore_mem>> -> memref<!tpu.dma_semaphore, #tpu.memory_space<semaphore_mem>>
          %dma_start3A_440 = arith.constant 64 : i32
          %dma_start3A_441 = arith.constant 0 : i32
          %dma_start3A_442 = tpu.memref_slice %arg9[%rem3A_413, %dma_start3A_440, %dma_start3A_441] : memref<2x128x256xf32, #tpu.memory_space<vmem>> -> memref<1x64x256xf32, #tpu.memory_space<vmem>>
          %dma_start3A_443 = tpu.memref_squeeze %dma_start3A_442 : memref<1x64x256xf32, #tpu.memory_space<vmem>> -> memref<64x256xf32, #tpu.memory_space<vmem>>
          %dma_start3A_444 = arith.constant 0 : i32
          %dma_start3A_445 = tpu.memref_slice %arg5[%dma_start3A_444, %min3A_417] : memref<64x1000000xf32, #tpu.memory_space<hbm>> -> memref<64x256xf32, #tpu.memory_space<hbm>>
          tpu.enqueue_dma source(%dma_start3A_445 : memref<64x256xf32, #tpu.memory_space<hbm>>) target(%dma_start3A_443 : memref<64x256xf32, #tpu.memory_space<vmem>>) target_semaphore(%dma_start3A_439 : memref<!tpu.dma_semaphore, #tpu.memory_space<semaphore_mem>>)
        } else {
        }
        %mul3A_245 = arith.constant 256 : i32
        %mul3A_246 = arith.muli %shift_right_arithmetic3A_232, %mul3A_245 : i32
        %min3A_247 = arith.constant 999808 : i32
        %min3A_248 = arith.minsi %mul3A_246, %min3A_247 : i32
        %sub3A = arith.subi %squeeze3A_230, %min3A_248 : i32
        %broadcast_in_dim3A_249 = vector.broadcast %sub3A : i32 to vector<16xi32>
        %add3A_250 = arith.addi %and3A_197, %scan3A_224 : i32
        %rem3A_251 = arith.constant 2 : i32
        %rem3A_252 = arith.remsi %shift_right_arithmetic3A_232, %rem3A_251 : i32
        %broadcast_in_dim3A_253 = vector.broadcast %rem3A_252 : i32 to vector<16xi32>
        %add3A_254 = arith.constant 0 : i32
        %add3A_255 = vector.broadcast %add3A_254 : i32 to vector<16xi32>
        %add3A_256 = arith.addi %iota3A, %add3A_255 : vector<16xi32>
        %gather3A = tpu.vector_load_idx %arg9[%broadcast_in_dim3A_253, %add3A_256, %broadcast_in_dim3A_249] : memref<2x128x256xf32, #tpu.memory_space<vmem>>[vector<16xi32>, vector<16xi32>, vector<16xi32>], vector<16xf32>,
        %swap3A = arith.index_cast %and3A_195 : i32 to index
        %swap3A_257 = arith.index_cast %add3A_250 : i32 to index
        %swap3A_258 = arith.constant 0 : index
        %swap3A_259 = tpu.vector_load %arg10[%swap3A, %swap3A_257, %swap3A_258] {strides = array<i32>} : memref<2x64x128xf32, #tpu.memory_space<vmem>>, vector<16xf32>,
        tpu.vector_store %arg10[%swap3A, %swap3A_257, %swap3A_258], %gather3A {strides = array<i32>} : memref<2x64x128xf32, #tpu.memory_space<vmem>>, vector<16xf32>,
        %add3A_260 = arith.constant 16 : i32
        %add3A_261 = vector.broadcast %add3A_260 : i32 to vector<16xi32>
        %add3A_262 = arith.addi %iota3A, %add3A_261 : vector<16xi32>
        %gather3A_263 = tpu.vector_load_idx %arg9[%broadcast_in_dim3A_253, %add3A_262, %broadcast_in_dim3A_249] : memref<2x128x256xf32, #tpu.memory_space<vmem>>[vector<16xi32>, vector<16xi32>, vector<16xi32>], vector<16xf32>,
        %swap3A_264 = arith.index_cast %and3A_195 : i32 to index
        %swap3A_265 = arith.index_cast %add3A_250 : i32 to index
        %swap3A_266 = arith.constant 16 : index
        %swap3A_267 = tpu.vector_load %arg10[%swap3A_264, %swap3A_265, %swap3A_266] {strides = array<i32>} : memref<2x64x128xf32, #tpu.memory_space<vmem>>, vector<16xf32>,
        tpu.vector_store %arg10[%swap3A_264, %swap3A_265, %swap3A_266], %gather3A_263 {strides = array<i32>} : memref<2x64x128xf32, #tpu.memory_space<vmem>>, vector<16xf32>,
        %add3A_268 = arith.constant 32 : i32
        %add3A_269 = vector.broadcast %add3A_268 : i32 to vector<16xi32>
        %add3A_270 = arith.addi %iota3A, %add3A_269 : vector<16xi32>
        %gather3A_271 = tpu.vector_load_idx %arg9[%broadcast_in_dim3A_253, %add3A_270, %broadcast_in_dim3A_249] : memref<2x128x256xf32, #tpu.memory_space<vmem>>[vector<16xi32>, vector<16xi32>, vector<16xi32>], vector<16xf32>,
        %swap3A_272 = arith.index_cast %and3A_195 : i32 to index
        %swap3A_273 = arith.index_cast %add3A_250 : i32 to index
        %swap3A_274 = arith.constant 32 : index
        %swap3A_275 = tpu.vector_load %arg10[%swap3A_272, %swap3A_273, %swap3A_274] {strides = array<i32>} : memref<2x64x128xf32, #tpu.memory_space<vmem>>, vector<16xf32>,
        tpu.vector_store %arg10[%swap3A_272, %swap3A_273, %swap3A_274], %gather3A_271 {strides = array<i32>} : memref<2x64x128xf32, #tpu.memory_space<vmem>>, vector<16xf32>,
        %add3A_276 = arith.constant 48 : i32
        %add3A_277 = vector.broadcast %add3A_276 : i32 to vector<16xi32>
        %add3A_278 = arith.addi %iota3A, %add3A_277 : vector<16xi32>
        %gather3A_279 = tpu.vector_load_idx %arg9[%broadcast_in_dim3A_253, %add3A_278, %broadcast_in_dim3A_249] : memref<2x128x256xf32, #tpu.memory_space<vmem>>[vector<16xi32>, vector<16xi32>, vector<16xi32>], vector<16xf32>,
        %swap3A_280 = arith.index_cast %and3A_195 : i32 to index
        %swap3A_281 = arith.index_cast %add3A_250 : i32 to index
        %swap3A_282 = arith.constant 48 : index
        %swap3A_283 = tpu.vector_load %arg10[%swap3A_280, %swap3A_281, %swap3A_282] {strides = array<i32>} : memref<2x64x128xf32, #tpu.memory_space<vmem>>, vector<16xf32>,
        tpu.vector_store %arg10[%swap3A_280, %swap3A_281, %swap3A_282], %gather3A_279 {strides = array<i32>} : memref<2x64x128xf32, #tpu.memory_space<vmem>>, vector<16xf32>,
        %add3A_284 = arith.constant 64 : i32
        %add3A_285 = vector.broadcast %add3A_284 : i32 to vector<16xi32>
        %add3A_286 = arith.addi %add3A_285, %iota3A : vector<16xi32>
        %add3A_287 = arith.constant 0 : i32
        %add3A_288 = vector.broadcast %add3A_287 : i32 to vector<16xi32>
        %add3A_289 = arith.addi %add3A_286, %add3A_288 : vector<16xi32>
        %gather3A_290 = tpu.vector_load_idx %arg9[%broadcast_in_dim3A_253, %add3A_289, %broadcast_in_dim3A_249] : memref<2x128x256xf32, #tpu.memory_space<vmem>>[vector<16xi32>, vector<16xi32>, vector<16xi32>], vector<16xf32>,
        %swap3A_291 = arith.index_cast %and3A_195 : i32 to index
        %swap3A_292 = arith.index_cast %add3A_250 : i32 to index
        %swap3A_293 = arith.constant 64 : index
        %swap3A_294 = tpu.vector_load %arg10[%swap3A_291, %swap3A_292, %swap3A_293] {strides = array<i32>} : memref<2x64x128xf32, #tpu.memory_space<vmem>>, vector<16xf32>,
        tpu.vector_store %arg10[%swap3A_291, %swap3A_292, %swap3A_293], %gather3A_290 {strides = array<i32>} : memref<2x64x128xf32, #tpu.memory_space<vmem>>, vector<16xf32>,
        %add3A_295 = arith.constant 64 : i32
        %add3A_296 = vector.broadcast %add3A_295 : i32 to vector<16xi32>
        %add3A_297 = arith.addi %add3A_296, %iota3A : vector<16xi32>
        %add3A_298 = arith.constant 16 : i32
        %add3A_299 = vector.broadcast %add3A_298 : i32 to vector<16xi32>
        %add3A_300 = arith.addi %add3A_297, %add3A_299 : vector<16xi32>
        %gather3A_301 = tpu.vector_load_idx %arg9[%broadcast_in_dim3A_253, %add3A_300, %broadcast_in_dim3A_249] : memref<2x128x256xf32, #tpu.memory_space<vmem>>[vector<16xi32>, vector<16xi32>, vector<16xi32>], vector<16xf32>,
        %swap3A_302 = arith.index_cast %and3A_195 : i32 to index
        %swap3A_303 = arith.index_cast %add3A_250 : i32 to index
        %swap3A_304 = arith.constant 80 : index
        %swap3A_305 = tpu.vector_load %arg10[%swap3A_302, %swap3A_303, %swap3A_304] {strides = array<i32>} : memref<2x64x128xf32, #tpu.memory_space<vmem>>, vector<16xf32>,
        tpu.vector_store %arg10[%swap3A_302, %swap3A_303, %swap3A_304], %gather3A_301 {strides = array<i32>} : memref<2x64x128xf32, #tpu.memory_space<vmem>>, vector<16xf32>,
        %add3A_306 = arith.constant 64 : i32
        %add3A_307 = vector.broadcast %add3A_306 : i32 to vector<16xi32>
        %add3A_308 = arith.addi %add3A_307, %iota3A : vector<16xi32>
        %add3A_309 = arith.constant 32 : i32
        %add3A_310 = vector.broadcast %add3A_309 : i32 to vector<16xi32>
        %add3A_311 = arith.addi %add3A_308, %add3A_310 : vector<16xi32>
        %gather3A_312 = tpu.vector_load_idx %arg9[%broadcast_in_dim3A_253, %add3A_311, %broadcast_in_dim3A_249] : memref<2x128x256xf32, #tpu.memory_space<vmem>>[vector<16xi32>, vector<16xi32>, vector<16xi32>], vector<16xf32>,
        %swap3A_313 = arith.index_cast %and3A_195 : i32 to index
        %swap3A_314 = arith.index_cast %add3A_250 : i32 to index
        %swap3A_315 = arith.constant 96 : index
        %swap3A_316 = tpu.vector_load %arg10[%swap3A_313, %swap3A_314, %swap3A_315] {strides = array<i32>} : memref<2x64x128xf32, #tpu.memory_space<vmem>>, vector<16xf32>,
        tpu.vector_store %arg10[%swap3A_313, %swap3A_314, %swap3A_315], %gather3A_312 {strides = array<i32>} : memref<2x64x128xf32, #tpu.memory_space<vmem>>, vector<16xf32>,
        %add3A_317 = arith.constant 64 : i32
        %add3A_318 = vector.broadcast %add3A_317 : i32 to vector<16xi32>
        %add3A_319 = arith.addi %add3A_318, %iota3A : vector<16xi32>
        %add3A_320 = arith.constant 48 : i32
        %add3A_321 = vector.broadcast %add3A_320 : i32 to vector<16xi32>
        %add3A_322 = arith.addi %add3A_319, %add3A_321 : vector<16xi32>
        %gather3A_323 = tpu.vector_load_idx %arg9[%broadcast_in_dim3A_253, %add3A_322, %broadcast_in_dim3A_249] : memref<2x128x256xf32, #tpu.memory_space<vmem>>[vector<16xi32>, vector<16xi32>, vector<16xi32>], vector<16xf32>,
        %swap3A_324 = arith.index_cast %and3A_195 : i32 to index
        %swap3A_325 = arith.index_cast %add3A_250 : i32 to index
        %swap3A_326 = arith.constant 112 : index
        %swap3A_327 = tpu.vector_load %arg10[%swap3A_324, %swap3A_325, %swap3A_326] {strides = array<i32>} : memref<2x64x128xf32, #tpu.memory_space<vmem>>, vector<16xf32>,
        tpu.vector_store %arg10[%swap3A_324, %swap3A_325, %swap3A_326], %gather3A_323 {strides = array<i32>} : memref<2x64x128xf32, #tpu.memory_space<vmem>>, vector<16xf32>,
        scf.yield %shift_right_arithmetic3A_232 : i32
      }
      %scan3A_216 = arith.constant 16 : i32
      %and3A_217 = arith.constant 3 : i32
      %and3A_218 = arith.andi %scan3A_189, %and3A_217 : i32
      %eq3A_219 = arith.constant 3 : i32
      %eq3A_220 = arith.cmpi eq, %and3A_218, %eq3A_219 : i32
      %convert_element_type3A_221 = arith.extui %eq3A_220 : i1 to i32
      %cond3A_222 = arith.constant 0 : i32
      %cond3A_223 = arith.cmpi ne, %convert_element_type3A_221, %cond3A_222 : i32
      scf.if %cond3A_223 {
        %dma_start3A_224 = arith.constant 0 : i32
        %dma_start3A_225 = arith.constant 0 : i32
        %dma_start3A_226 = tpu.memref_slice %arg10[%and3A_195, %dma_start3A_224, %dma_start3A_225] : memref<2x64x128xf32, #tpu.memory_space<vmem>> -> memref<1x64x128xf32, #tpu.memory_space<vmem>>
        %dma_start3A_227 = tpu.memref_squeeze %dma_start3A_226 : memref<1x64x128xf32, #tpu.memory_space<vmem>> -> memref<64x128xf32, #tpu.memory_space<vmem>>
        %dma_start3A_228 = arith.constant 0 : i32
        %dma_start3A_229 = tpu.memref_slice %arg8[%shift_right_arithmetic3A_194, %dma_start3A_228] : memref<100x64xi32, #tpu.memory_space<vmem>> -> memref<1x64xi32, #tpu.memory_space<vmem>>
        %dma_start3A_230 = tpu.memref_squeeze %dma_start3A_229 : memref<1x64xi32, #tpu.memory_space<vmem>> -> memref<64xi32, #tpu.memory_space<vmem>>
        %dma_start3A_231 = arith.constant 0 : i32
        %dma_start3A_232 = arith.constant 0 : i32
        %dma_start3A_233 = tpu.memref_slice %arg6[%dma_start3A_231, %dma_start3A_232] : memref<204800x128xf32, #tpu.memory_space<hbm>> -> memref<204800x128xf32, #tpu.memory_space<hbm>>
        %dma_start3A_234 = tpu.memref_slice %arg13[%and3A_195] : memref<2x!tpu.dma_semaphore, #tpu.memory_space<semaphore_mem>> -> memref<1x!tpu.dma_semaphore, #tpu.memory_space<semaphore_mem>>
        %dma_start3A_235 = tpu.memref_squeeze %dma_start3A_234 : memref<1x!tpu.dma_semaphore, #tpu.memory_space<semaphore_mem>> -> memref<!tpu.dma_semaphore, #tpu.memory_space<semaphore_mem>>
        tpu.enqueue_indirect_dma source(%dma_start3A_227 : memref<64x128xf32, #tpu.memory_space<vmem>>) target(%dma_start3A_233 : memref<204800x128xf32, #tpu.memory_space<hbm>>) offsets(%dma_start3A_230 : memref<64xi32, #tpu.memory_space<vmem>>) semaphore(%dma_start3A_235 : memref<!tpu.dma_semaphore, #tpu.memory_space<semaphore_mem>>)
      } else {
      }
      scf.yield %scan3A_215 : i32
    }
    %scan3A_132 = arith.constant 400 : i32
    %add3A_133 = arith.constant 1 : i32
    %add3A_134 = arith.addi %scan3A_131, %add3A_133 : i32
    %rem3A_135 = arith.constant 2 : i32
    %rem3A_136 = arith.remsi %add3A_134, %rem3A_135 : i32
    %dma_wait3A_137 = arith.constant 0 : i32
    %dma_wait3A_138 = arith.constant 0 : i32
    %dma_wait3A_139 = tpu.memref_slice %arg9[%rem3A_136, %dma_wait3A_137, %dma_wait3A_138] : memref<2x128x256xf32, #tpu.memory_space<vmem>> -> memref<1x128x256xf32, #tpu.memory_space<vmem>>
    %dma_wait3A_140 = tpu.memref_squeeze %dma_wait3A_139 : memref<1x128x256xf32, #tpu.memory_space<vmem>> -> memref<128x256xf32, #tpu.memory_space<vmem>>
    %dma_wait3A_141 = arith.constant 0 : i32
    %dma_wait3A_142 = arith.constant 0 : i32
    %dma_wait3A_143 = tpu.memref_slice %arg4[%dma_wait3A_141, %dma_wait3A_142] : memref<64x1000000xf32, #tpu.memory_space<hbm>> -> memref<64x256xf32, #tpu.memory_space<hbm>>
    %dma_wait3A_144 = tpu.memref_slice %arg12[%rem3A_136] : memref<2x!tpu.dma_semaphore, #tpu.memory_space<semaphore_mem>> -> memref<1x!tpu.dma_semaphore, #tpu.memory_space<semaphore_mem>>
    %dma_wait3A_145 = tpu.memref_squeeze %dma_wait3A_144 : memref<1x!tpu.dma_semaphore, #tpu.memory_space<semaphore_mem>> -> memref<!tpu.dma_semaphore, #tpu.memory_space<semaphore_mem>>
    %dma_wait3A_146 = arith.constant 0 : i32
    %dma_wait3A_147 = arith.constant 0 : i32
    %dma_wait3A_148 = tpu.memref_slice %arg9[%rem3A_136, %dma_wait3A_146, %dma_wait3A_147] : memref<2x128x256xf32, #tpu.memory_space<vmem>> -> memref<1x128x256xf32, #tpu.memory_space<vmem>>
    %dma_wait3A_149 = tpu.memref_squeeze %dma_wait3A_148 : memref<1x128x256xf32, #tpu.memory_space<vmem>> -> memref<128x256xf32, #tpu.memory_space<vmem>>
    %dma_wait3A_150 = arith.constant 0 : i32
    %dma_wait3A_151 = arith.constant 0 : i32
    %dma_wait3A_152 = tpu.memref_slice %arg4[%dma_wait3A_150, %dma_wait3A_151] : memref<64x1000000xf32, #tpu.memory_space<hbm>> -> memref<64x256xf32, #tpu.memory_space<hbm>>
    tpu.wait_dma2 semaphore(%dma_wait3A_145 : memref<!tpu.dma_semaphore, #tpu.memory_space<semaphore_mem>>) src(%dma_wait3A_152 : memref<64x256xf32, #tpu.memory_space<hbm>>) dst(%dma_wait3A_149 : memref<128x256xf32, #tpu.memory_space<vmem>>)
    %dma_wait3A_153 = arith.constant 0 : i32
    %dma_wait3A_154 = arith.constant 0 : i32
    %dma_wait3A_155 = arith.constant 0 : i32
    %dma_wait3A_156 = arith.constant 0 : i32
    %dma_wait3A_157 = tpu.memref_slice %arg10[%dma_wait3A_153, %dma_wait3A_155, %dma_wait3A_156] : memref<2x64x128xf32, #tpu.memory_space<vmem>> -> memref<1x64x128xf32, #tpu.memory_space<vmem>>
    %dma_wait3A_158 = tpu.memref_squeeze %dma_wait3A_157 : memref<1x64x128xf32, #tpu.memory_space<vmem>> -> memref<64x128xf32, #tpu.memory_space<vmem>>
    %dma_wait3A_159 = arith.constant 0 : i32
    %dma_wait3A_160 = arith.constant 0 : i32
    %dma_wait3A_161 = tpu.memref_slice %arg6[%dma_wait3A_159, %dma_wait3A_160] : memref<204800x128xf32, #tpu.memory_space<hbm>> -> memref<64x128xf32, #tpu.memory_space<hbm>>
    %dma_wait3A_162 = tpu.memref_slice %arg13[%dma_wait3A_154] : memref<2x!tpu.dma_semaphore, #tpu.memory_space<semaphore_mem>> -> memref<1x!tpu.dma_semaphore, #tpu.memory_space<semaphore_mem>>
    %dma_wait3A_163 = tpu.memref_squeeze %dma_wait3A_162 : memref<1x!tpu.dma_semaphore, #tpu.memory_space<semaphore_mem>> -> memref<!tpu.dma_semaphore, #tpu.memory_space<semaphore_mem>>
    %dma_wait3A_164 = arith.constant 0 : i32
    %dma_wait3A_165 = arith.constant 0 : i32
    %dma_wait3A_166 = tpu.memref_slice %arg10[%dma_wait3A_153, %dma_wait3A_164, %dma_wait3A_165] : memref<2x64x128xf32, #tpu.memory_space<vmem>> -> memref<1x64x128xf32, #tpu.memory_space<vmem>>
    %dma_wait3A_167 = tpu.memref_squeeze %dma_wait3A_166 : memref<1x64x128xf32, #tpu.memory_space<vmem>> -> memref<64x128xf32, #tpu.memory_space<vmem>>
    %dma_wait3A_168 = arith.constant 0 : i32
    %dma_wait3A_169 = arith.constant 0 : i32
    %dma_wait3A_170 = tpu.memref_slice %arg6[%dma_wait3A_168, %dma_wait3A_169] : memref<204800x128xf32, #tpu.memory_space<hbm>> -> memref<64x128xf32, #tpu.memory_space<hbm>>
    tpu.wait_dma2 semaphore(%dma_wait3A_163 : memref<!tpu.dma_semaphore, #tpu.memory_space<semaphore_mem>>) src(%dma_wait3A_170 : memref<64x128xf32, #tpu.memory_space<hbm>>) dst(%dma_wait3A_167 : memref<64x128xf32, #tpu.memory_space<vmem>>)
    %dma_wait3A_171 = arith.constant 1 : i32
    %dma_wait3A_172 = arith.constant 1 : i32
    %dma_wait3A_173 = arith.constant 0 : i32
    %dma_wait3A_174 = arith.constant 0 : i32
    %dma_wait3A_175 = tpu.memref_slice %arg10[%dma_wait3A_171, %dma_wait3A_173, %dma_wait3A_174] : memref<2x64x128xf32, #tpu.memory_space<vmem>> -> memref<1x64x128xf32, #tpu.memory_space<vmem>>
    %dma_wait3A_176 = tpu.memref_squeeze %dma_wait3A_175 : memref<1x64x128xf32, #tpu.memory_space<vmem>> -> memref<64x128xf32, #tpu.memory_space<vmem>>
    %dma_wait3A_177 = arith.constant 0 : i32
    %dma_wait3A_178 = arith.constant 0 : i32
    %dma_wait3A_179 = tpu.memref_slice %arg6[%dma_wait3A_177, %dma_wait3A_178] : memref<204800x128xf32, #tpu.memory_space<hbm>> -> memref<64x128xf32, #tpu.memory_space<hbm>>
    %dma_wait3A_180 = tpu.memref_slice %arg13[%dma_wait3A_172] : memref<2x!tpu.dma_semaphore, #tpu.memory_space<semaphore_mem>> -> memref<1x!tpu.dma_semaphore, #tpu.memory_space<semaphore_mem>>
    %dma_wait3A_181 = tpu.memref_squeeze %dma_wait3A_180 : memref<1x!tpu.dma_semaphore, #tpu.memory_space<semaphore_mem>> -> memref<!tpu.dma_semaphore, #tpu.memory_space<semaphore_mem>>
    %dma_wait3A_182 = arith.constant 0 : i32
    %dma_wait3A_183 = arith.constant 0 : i32
    %dma_wait3A_184 = tpu.memref_slice %arg10[%dma_wait3A_171, %dma_wait3A_182, %dma_wait3A_183] : memref<2x64x128xf32, #tpu.memory_space<vmem>> -> memref<1x64x128xf32, #tpu.memory_space<vmem>>
    %dma_wait3A_185 = tpu.memref_squeeze %dma_wait3A_184 : memref<1x64x128xf32, #tpu.memory_space<vmem>> -> memref<64x128xf32, #tpu.memory_space<vmem>>
    %dma_wait3A_186 = arith.constant 0 : i32
    %dma_wait3A_187 = arith.constant 0 : i32
    %dma_wait3A_188 = tpu.memref_slice %arg6[%dma_wait3A_186, %dma_wait3A_187] : memref<204800x128xf32, #tpu.memory_space<hbm>> -> memref<64x128xf32, #tpu.memory_space<hbm>>
    tpu.wait_dma2 semaphore(%dma_wait3A_181 : memref<!tpu.dma_semaphore, #tpu.memory_space<semaphore_mem>>) src(%dma_wait3A_188 : memref<64x128xf32, #tpu.memory_space<hbm>>) dst(%dma_wait3A_185 : memref<64x128xf32, #tpu.memory_space<vmem>>)
    return
  }
}

</mosaic_0001>

<sc_bundles>
// kernel: kernel.3.cloned.1.call-start
scs
__scs_entry_jumppad:
0x0: {  	(pc) =	sbr.rel $0x88, $3  }
0x1: {  	(tag) =	ssettag $0x0;
	lr =	simm.s32 $0x1  }
0x2: {  	[smem:$0x3F9E] =	sst lr;
	_ =	strace $0xD0000000  }
0x3: {  	_ = 	snop  }
0x4: {  	_ = 	snop  }
0x5: {  	_ = 	snop  }
0x6: {  	_ = 	snop  }
0x7: {  	_ = 	snop  }
__scs_overlays_trampoline_lowered:
0x8: {  	[smem:$0x3FAD] =	sst s0  }
0x9: {  	[smem:$0x3FAE] =	sst s1  }
0xa: {  	[smem:$0x3FAF] =	sst s2  }
0xb: {  	[smem:$0x3FB0] =	sst s3  }
0xc: {  	[smem:$0x3FB1] =	sst s4  }
0xd: {  	[smem:$0x3FB2] =	sst s5  }
0xe: {  	[smem:$0x3FB3] =	sst s6  }
0xf: {  	[smem:$0x3FB4] =	sst s7  }
0x10: {  	[smem:$0x3FB5] =	sst s8  }
0x11: {  	[smem:$0x3FB6] =	sst s9;
	s0 =	simm.s32 @!p0 $0x0  }
0x12: {  	s1 =	sld [smem:$0x3F9C];
	s0 =	simm.s32 @p0 $0x1  }
0x13: {  	[smem:$0x3FB7] =	sst s0;
	s0 =	simm.s32 @!p1 $0x0  }
0x14: {  	s2 =	sld [smem:$0x3F9B];
	s0 =	simm.s32 @p1 $0x1  }
0x15: {  	[smem:$0x3FB8] =	sst s0;
	s0 =	simm.s32 @!p2 $0x0  }
0x16: {  	s3 =	sld [smem:$0x3FDB];
	s0 =	simm.s32 @p2 $0x1  }
0x17: {  	s4 =	simm.s32 $0x1BF5;
	[smem:$0x3FBA] =	sst s0  }
0x18: {  	s0 =	sld [smem:$0x3F9D];
	_ =	swait.ge [sflag:s4], $0x0  }
0x19: {  	s7 =	sld [smem:$0x3F9E]  }
0x1a: {  	s8 =	sadd.s32 $0xFFFFE003, lr  }
0x1b: {  	s9 =	sadd.s32 $0xFFFFFEF7, lr;
	s5 =	simm.s32 $0xFFFFFFFF;
	p2 =	slt.u32 s8, $0xFFFFF086  }
0x1c: {  	p1 =	slt.u32 s9, $0xF7A;
	s5 =	simm.s32 @!p2 $0x0  }
0x1d: {  	s5 =	simm.s32 @p1 $0x1;
	p0 =	seq.s32 s7, s2  }
0x1e: {  	s7 =	smul.u32 @!p0 $0xF7A, s2;
	p2 =	seq.s32 @!p0 s5, $0x0  }
0x1f: {  	s9 =	smul.u32 $0xF7A, s1;
	s8 =	simm.s32 @!p0 $0x1BF5;
	p2 =	por !p2, p0  }
0x20: {  	[sflag:s8] =	ssyncset.s32 @!p0 $0xFFFFF086;
	s6 =	sadd.s32 @!p0 s3, s7;
	s7 =	simm.s32 @!p0 $0x108  }
0x21: {  	s3 =	sadd.s32 s3, s9;
	s6 =	sadd.s32 @!p0 $0x88, s6;
	s7 =	simm.s32 @p2 $0x1082  }
0x22: {  	[simem:s7], [sflag:s8] =	dma.local @!p0 [hbm:s6], $0xF7A  }
0x23: {  	s9 =	sor.u32 $0xD0000000, s2;
	s6 =	simm.s32 $0x108;
	_ =	swait.ge @!p0 [sflag:s8], $0x0  }
0x24: {  	s3 =	sadd.s32 $0x88, s3;
	s6 =	simm.s32 @!p1 $0x1082;
	[sflag:s4] =	ssyncset.s32 $0xFFFFF086  }
0x25: {  	[simem:s6], [sflag:s4] =	dma.local [hbm:s3], $0xF7A  }
0x26: {  	[smem:$0x3F9E] =	sst s1;
	(tag) =	ssettag s2;
	_ =	strace s9  }
0x27: {  	s1 =	sld [smem:$0x3FAE]  }
0x28: {  	s2 =	sld [smem:$0x3FAF]  }
0x29: {  	s4 =	sld [smem:$0x3FB1]  }
0x2a: {  	p0 =	seq.s32 s5, $0x0;
	s5 =	sld [smem:$0x3FB2]  }
0x2b: {  	s6 =	sld [smem:$0x3FB3]  }
0x2c: {  	s7 =	sld [smem:$0x3FB4]  }
0x2d: {  	s3 =	simm.s32 $0x108;
	s8 =	sld [smem:$0x3FB5]  }
0x2e: {  	s3 =	simm.s32 @!p0 $0x1082;
	s9 =	sld [smem:$0x3FB6]  }
0x2f: {  	lr =	sadd.s32 s0, s3;
	s0 =	sld [smem:$0x3FAD]  }
0x30: {  	s3 =	sld [smem:$0x3FB0]  }
0x31: {  	[smem:$0x3FB9] =	sst s10  }
0x32: {  	s10 =	sld [smem:$0x3FB7];
	_ =	sdelay $0x3  }
0x33: {  	p0 =	seq.s32 s10, $0x1;
	s10 =	sld [smem:$0x3FB9];
	_ =	sdelay $0x3  }
0x34: {  	[smem:$0x3FB9] =	sst s10  }
0x35: {  	s10 =	sld [smem:$0x3FB8];
	_ =	sdelay $0x3  }
0x36: {  	p1 =	seq.s32 s10, $0x1;
	s10 =	sld [smem:$0x3FB9];
	_ =	sdelay $0x3  }
0x37: {  	[smem:$0x3FB9] =	sst s10  }
0x38: {  	s10 =	sld [smem:$0x3FBA]  }
0x39: {  	_ = 	snop;
	(pc) =	sbr.ind lr, $3  }
0x3a: {  	_ = 	snop  }
0x3b: {  	_ = 	snop  }
0x3c: {  	p2 =	seq.s32 s10, $0x1;
	s10 =	sld [smem:$0x3FB9]  }
0x3d: {  	_ =	shalt  }
0x3e: {  	_ =	shalt  }
0x3f: {  	_ =	shalt  }
0x40: {  	_ =	shalt  }
0x41: {  	_ =	shalt  }
0x42: {  	_ =	shalt  }
0x43: {  	_ =	shalt  }
0x44: {  	_ =	shalt  }
0x45: {  	_ =	shalt  }
0x46: {  	_ =	shalt  }
0x47: {  	_ =	shalt  }
0x48: {  	_ =	shalt  }
0x49: {  	_ =	shalt  }
0x4a: {  	_ =	shalt  }
0x4b: {  	_ =	shalt  }
0x4c: {  	_ =	shalt  }
0x4d: {  	_ =	shalt  }
0x4e: {  	_ =	shalt  }
0x4f: {  	_ =	shalt  }
0x50: {  	_ =	shalt  }
0x51: {  	_ =	shalt  }
0x52: {  	_ =	shalt  }
0x53: {  	_ =	shalt  }
0x54: {  	_ =	shalt  }
0x55: {  	_ =	shalt  }
0x56: {  	_ =	shalt  }
0x57: {  	_ =	shalt  }
0x58: {  	_ =	shalt  }
0x59: {  	_ =	shalt  }
0x5a: {  	_ =	shalt  }
0x5b: {  	_ =	shalt  }
0x5c: {  	_ =	shalt  }
0x5d: {  	_ =	shalt  }
0x5e: {  	_ =	shalt  }
0x5f: {  	_ =	shalt  }
0x60: {  	_ =	shalt  }
0x61: {  	_ =	shalt  }
0x62: {  	_ =	shalt  }
0x63: {  	_ =	shalt  }
0x64: {  	_ =	shalt  }
0x65: {  	_ =	shalt  }
0x66: {  	_ =	shalt  }
0x67: {  	_ =	shalt  }
0x68: {  	_ =	shalt  }
0x69: {  	_ =	shalt  }
0x6a: {  	_ =	shalt  }
0x6b: {  	_ =	shalt  }
0x6c: {  	_ =	shalt  }
0x6d: {  	_ =	shalt  }
0x6e: {  	_ =	shalt  }
0x6f: {  	_ =	shalt  }
0x70: {  	_ =	shalt  }
0x71: {  	_ =	shalt  }
0x72: {  	_ =	shalt  }
0x73: {  	_ =	shalt  }
0x74: {  	_ =	shalt  }
0x75: {  	_ =	shalt  }
0x76: {  	_ =	shalt  }
0x77: {  	_ =	shalt  }
0x78: {  	_ =	shalt  }
0x79: {  	_ =	shalt  }
0x7a: {  	_ =	shalt  }
0x7b: {  	_ =	shalt  }
0x7c: {  	_ =	shalt  }
0x7d: {  	_ =	shalt  }
0x7e: {  	_ =	shalt  }
0x7f: {  	_ =	shalt  }
0x80: {  	_ =	shalt  }
0x81: {  	_ =	shalt  }
0x82: {  	_ =	shalt  }
0x83: {  	_ =	shalt  }
0x84: {  	_ =	shalt  }
0x85: {  	_ =	shalt  }
0x86: {  	_ =	shalt  }
0x87: {  	_ =	shalt  }
.Lfunc_end0:
.L_simem_size_0:
called_computation.1_lowered:
.L_overlay_start_0:
0x88: {  	s2 =	sld [smem:$0x3FD9]  }
0x89: {  	s3 =	sld [smem:$0x3FFE];
	_ =	sdelay $0x1  }
0x8a: {  	s1 =	srdreg.scid  }
0x8b: {  	s0 =	sand.u32 $0x1, s1  }
0x8c: {  	s17 =	sshll.u32 s0, $0xA;
	s2 =	sadd.s32 s3, s2  }
0x8d: {  	s2 =	sadd.s32 s2, s17  }
0x8e: {  	[smem:$0x3FC5] =	sst s2  }
0x8f: {  	_ = 	snop  }
0x90: {  	s2 =	sld [smem:$0x3FC8]  }
0x91: {  	s18 =	sld [smem:$0x3FC7]  }
0x92: {  	s4 =	sld [smem:$0x3FD0];
	(tm) =	ssettm $0x1  }
0x93: {  	s5 =	sld [smem:$0x3FFB];
	_ =	sdelay $0x3  }
0x94: {  	_ =	strace s5  }
0x95: {  	s5 =	sld [smem:$0x3FFC];
	_ =	sdelay $0x3  }
0x96: {  	_ =	strace s5  }
0x97: {  	s5 =	sld [smem:$0x3FFD];
	_ =	sdelay $0x3  }
0x98: {  	_ =	strace s5  }
0x99: {  	_ =	strace $0x8FFFFFFF  }
0x9a: {  	s19 =	sld [smem:$0x3FDB];
	_ =	sdelay $0x1  }
0x9b: {  	s6 =	simm.s32 $_scs_section_size  }
0x9c: {  	s7 =	simm.s32 $_size__tile_overlayer_lowered;
	s8 =	simm.s32 $_tile_overlayer_lowered  }
0x9d: {  	s22 =	simm.s32 $0x1BFF;
	s21 =	sshll.u32 s8, $0x1;
	s5 =	sadd.s32 s6, s19  }
0x9e: {  	s9 =	simm.s32 $0x0;
	s20 =	sshll.u32 s7, $0x1;
	s7 =	sadd.s32 s21, s5  }
0x9f: {  	[timem:s9], [sflag:s22] =	dma.local [hbm:s7], s20  }
0xa0: {  	_ =	swait.ge [sflag:s22], s20  }
0xa1: {  	s6 =	ssub.s32 $0x0, s20;
	[sflag:s22] =	ssyncset.done $0x0  }
0xa2: {  	[sflag:s22] =	ssyncadd.s32 s6;
	_ =	sdelay $0x1  }
0xa3: {  	s23 =	simm.s32 $0x1B8B  }
0xa4: {  	_ =	swait.ge [sflag:s23], $0x1  }
0xa5: {  	[sflag:s23] =	ssyncset.done $0x0  }
0xa6: {  	s25 =	simm.s32 $0x1B8E;
	s24 =	sld [smem:$0x3FFE];
	[sflag:s23] =	ssyncadd.s32 $0xFFFFFFFF  }
0xa7: {  	s26 =	simm.s32 $execute0_lowered;
	[smem:$0x3FD2] =	sst s25  }
0xa8: {  	s7 =	sshll.u32 s26, $0x1;
	_ =	strace $0x80000046;
	[dreg:$0x1] =	wrdreg $0xFFFFFFFF  }
0xa9: {  	s28 =	simm.s32 $_size_execute0_lowered;
	s5 =	sadd.s32 s5, s7;
	[dreg:$0x0] =	wrdreg $0x0  }
0xaa: {  	s7 =	sshll.u32 s28, $0x1;
	[dreg:$0x2] =	wrdreg s5  }
0xab: {  	[dreg:$0x3] =	wrdreg s7  }
0xac: {  	[dreg:$0x4] =	wrdreg $0xC0  }
0xad: {  	_ =	task [dreg:s9], $0x5FFFF  }
0xae: {  	[dreg:$0x1] =	wrdreg $0xFFFFFFFF  }
0xaf: {  	[dreg:$0x0] =	wrdreg $0x60  }
0xb0: {  	[dreg:$0x2] =	wrdreg s24  }
0xb1: {  	[dreg:$0x3] =	wrdreg s2  }
0xb2: {  	[dreg:$0x4] =	wrdreg s18  }
0xb3: {  	[dreg:$0x5] =	wrdreg s4  }
0xb4: {  	[dreg:$0x6] =	wrdreg $0x9  }
0xb5: {  	_ =	task.clear_ibuf [dreg:s9], $0x7FFFF;
	_ =	strace $0x90000046  }
0xb6: {  	s29 =	simm.s32 $0x9;
	_ =	strace $0x80000048  }
0xb7: {  	_ =	swait.ge [sflag:s29], $0x1  }
0xb8: {  	[sflag:s29] =	ssyncadd.s32 $0xFFFFFFFF  }
0xb9: {  	_ =	strace $0x90000048  }
0xba: {  	_ =	sfence  }
0xbb: {  	s30 =	sld [smem:$0x0];
	_ =	sdelay $0x2  }
0xbc: {  	s31 =	sshll.u32 s1, $0xD;
	s1 =	sshrl.u32 s1, $0x2  }
0xbd: {  	s3 =	sand.u32 $0x4000, s31;
	s1 =	sadd.s32 s1, s30  }
0xbe: {  	s0 =	sor.u32 s3, s0;
	s1 =	sshll.u32 s1, $0x11  }
0xbf: {  	s0 =	sor.u32 s1, s0  }
0xc0: {  	s0 =	sadd.s32 $0x8F2B, s0  }
0xc1: {  	[sflag:s0] =	ssyncadd.remote.s32 $0x1  }
0xc2: {  	_ =	sfence.sel $0xFFFF  }
0xc3: {  	[dreg:$0x0] =	wrdreg $0xFFFFFFFF;
	(pc) =	sbr.abs _section_cstart, $3  }
0xc4: {  	[dreg:$0x1] =	wrdreg $0xFFFFFFFF  }
0xc5: {  	_ =	task.clear_ibuf [dreg:s9], $0x2FFFF;
	_ =	strace $0x9FFFFFFF  }
0xc6: {  	(tm) =	ssettm $0x7FFFFFFF  }
0xc7: {  	_ =	shalt  }
tec
execute0_lowered:
.L_overlay_start_1:
0x0: {  	(tag) =	ssettag $0x1  }
0x1: {  	v0 =	vimm.s32 $0xB80;
	vm14 =	vcmask $0x300  }
0x2: {  	v1 =	vimm.s32 $0x1B80;
	vm13 =	vcmask $0x704;
	vm12 =	vcmask $0xB08  }
0x3: {  	vm11 =	vcmask $0xF0C;
	vm10 =	vcmask $0x1310;
	vm9 =	vcmask $0x1714  }
0x4: {  	vm8 =	vcmask $0x1B18;
	vm7 =	vcmask $0x1F1C;
	vm6 =	vcmask $0x2320  }
0x5: {  	vm5 =	vcmask $0x2724;
	vm4 =	vcmask $0x2B28;
	vm3 =	vcmask $0x2F2C  }
0x6: {  	vm2 =	vcmask $0x3330;
	vm0 =	vcmask $0x3734;
	vm1 =	vcmask $0x3B38  }
0x7: {  	v2 =	vimm.s32 $0x2B80;
	v3 =	vimm.s32 $0x3B80;
	v4 =	vimm.s32 $0x4B80  }
0x8: {  	v5 =	vimm.s32 $0x5B80;
	v6 =	vimm.s32 $0x6B80;
	v7 =	vimm.s32 $0x7B80  }
0x9: {  	v0 =	vsel vm14, $0x0, v0;
	v1 =	vsel vm14, $0x1000, v1;
	v2 =	vsel vm14, $0x2000, v2  }
0xa: {  	v3 =	vsel vm14, $0x3000, v3;
	v4 =	vsel vm14, $0x4000, v4;
	v5 =	vsel vm14, $0x5000, v5  }
0xb: {  	v6 =	vsel vm14, $0x6000, v6;
	v7 =	vsel vm14, $0x7000, v7;
	v0 =	vsel vm13, $0x80, v0  }
0xc: {  	v1 =	vsel vm13, $0x1080, v1;
	v2 =	vsel vm13, $0x2080, v2;
	v3 =	vsel vm13, $0x3080, v3  }
0xd: {  	v4 =	vsel vm13, $0x4080, v4;
	v5 =	vsel vm13, $0x5080, v5;
	v6 =	vsel vm13, $0x6080, v6  }
0xe: {  	v7 =	vsel vm13, $0x7080, v7;
	v0 =	vsel vm12, $0x100, v0;
	v1 =	vsel vm12, $0x1100, v1  }
0xf: {  	v2 =	vsel vm12, $0x2100, v2;
	v3 =	vsel vm12, $0x3100, v3;
	v4 =	vsel vm12, $0x4100, v4  }
0x10: {  	v5 =	vsel vm12, $0x5100, v5;
	v6 =	vsel vm12, $0x6100, v6;
	v7 =	vsel vm12, $0x7100, v7  }
0x11: {  	v0 =	vsel vm11, $0x180, v0;
	v1 =	vsel vm11, $0x1180, v1;
	v2 =	vsel vm11, $0x2180, v2  }
0x12: {  	v3 =	vsel vm11, $0x3180, v3;
	v4 =	vsel vm11, $0x4180, v4;
	v5 =	vsel vm11, $0x5180, v5  }
0x13: {  	v6 =	vsel vm11, $0x6180, v6;
	v7 =	vsel vm11, $0x7180, v7;
	v0 =	vsel vm10, $0x200, v0  }
0x14: {  	v1 =	vsel vm10, $0x1200, v1;
	v2 =	vsel vm10, $0x2200, v2;
	v3 =	vsel vm10, $0x3200, v3  }
0x15: {  	v4 =	vsel vm10, $0x4200, v4;
	v5 =	vsel vm10, $0x5200, v5;
	v6 =	vsel vm10, $0x6200, v6  }
0x16: {  	v7 =	vsel vm10, $0x7200, v7;
	v0 =	vsel vm9, $0x280, v0;
	v1 =	vsel vm9, $0x1280, v1  }
0x17: {  	v2 =	vsel vm9, $0x2280, v2;
	v3 =	vsel vm9, $0x3280, v3;
	v4 =	vsel vm9, $0x4280, v4  }
0x18: {  	v5 =	vsel vm9, $0x5280, v5;
	v6 =	vsel vm9, $0x6280, v6;
	v7 =	vsel vm9, $0x7280, v7  }
0x19: {  	v0 =	vsel vm8, $0x300, v0;
	v1 =	vsel vm8, $0x1300, v1;
	v2 =	vsel vm8, $0x2300, v2  }
0x1a: {  	v3 =	vsel vm8, $0x3300, v3;
	v4 =	vsel vm8, $0x4300, v4;
	v5 =	vsel vm8, $0x5300, v5  }
0x1b: {  	v6 =	vsel vm8, $0x6300, v6;
	v7 =	vsel vm8, $0x7300, v7;
	v0 =	vsel vm7, $0x380, v0  }
0x1c: {  	v1 =	vsel vm7, $0x1380, v1;
	v2 =	vsel vm7, $0x2380, v2;
	v3 =	vsel vm7, $0x3380, v3  }
0x1d: {  	v4 =	vsel vm7, $0x4380, v4;
	v5 =	vsel vm7, $0x5380, v5;
	v6 =	vsel vm7, $0x6380, v6  }
0x1e: {  	v7 =	vsel vm7, $0x7380, v7;
	v0 =	vsel vm6, $0x800, v0;
	v1 =	vsel vm6, $0x1800, v1  }
0x1f: {  	v2 =	vsel vm6, $0x2800, v2;
	v3 =	vsel vm6, $0x3800, v3;
	v4 =	vsel vm6, $0x4800, v4  }
0x20: {  	v5 =	vsel vm6, $0x5800, v5;
	v6 =	vsel vm6, $0x6800, v6;
	v7 =	vsel vm6, $0x7800, v7  }
0x21: {  	v0 =	vsel vm5, $0x880, v0;
	v1 =	vsel vm5, $0x1880, v1;
	v2 =	vsel vm5, $0x2880, v2  }
0x22: {  	v3 =	vsel vm5, $0x3880, v3;
	v4 =	vsel vm5, $0x4880, v4;
	v5 =	vsel vm5, $0x5880, v5  }
0x23: {  	v6 =	vsel vm5, $0x6880, v6;
	v7 =	vsel vm5, $0x7880, v7;
	v0 =	vsel vm4, $0x900, v0  }
0x24: {  	s3 =	rddreg [dreg:$0x0];
	s2 =	srdreg.scid;
	v1 =	vsel vm4, $0x1900, v1;
	v2 =	vsel vm4, $0x2900, v2;
	v3 =	vsel vm4, $0x3900, v3  }
0x25: {  	s0 =	stileid.u32;
	s1 =	rddreg [dreg:$0x1];
	v4 =	vsel vm4, $0x4900, v4;
	v5 =	vsel vm4, $0x5900, v5;
	v6 =	vsel vm4, $0x6900, v6  }
0x26: {  	s28 =	simm.s32 $0x0;
	s12 =	simm.s32 $0x800;
	s13 =	simm.s32 $0x5;
	v7 =	vsel vm4, $0x7900, v7;
	v0 =	vsel vm3, $0x980, v0;
	v1 =	vsel vm3, $0x1980, v1  }
0x27: {  	s14 =	simm.s32 $0x7A1400;
	s6 =	sand.u32 $0x1, s2;
	s4 =	sshll.u32 s0, $0x1;
	v2 =	vsel vm3, $0x2980, v2;
	v3 =	vsel vm3, $0x3980, v3;
	v4 =	vsel vm3, $0x4980, v4  }
0x28: {  	s15 =	simm.s32 $0x4D80;
	s5 =	sshrl.u32 s0, $0x2;
	s7 =	sor.u32 s6, s4;
	v5 =	vsel vm3, $0x5980, v5;
	v6 =	vsel vm3, $0x6980, v6;
	v7 =	vsel vm3, $0x7980, v7  }
0x29: {  	s16 =	simm.s32 $0x3;
	s8 =	smul.u32 $0xC800, s5;
	s9 =	sshll.u32 s7, $0x7;
	v0 =	vsel vm2, $0xA00, v0;
	v1 =	vsel vm2, $0x1A00, v1;
	v2 =	vsel vm2, $0x2A00, v2  }
0x2a: {  	s17 =	simm.s32 $0x4;
	s2 =	rddreg [dreg:$0x2];
	s9 =	sand.u32 $0x380, s9;
	v3 =	vsel vm2, $0x3A00, v3;
	v4 =	vsel vm2, $0x4A00, v4;
	v5 =	vsel vm2, $0x5A00, v5  }
0x2b: {  	[smem:$0x7FF] =	sst s28;
	s7 =	smul.u32 $0x680, s7;
	s8 =	sor.u32 s8, s9;
	v6 =	vsel vm2, $0x6A00, v6;
	v7 =	vsel vm2, $0x7A00, v7;
	v0 =	vsel vm0, $0xA80, v0  }
.Ltmp0:
0x2c: {  	s4 =	rddreg [dreg:$0x3];
	s8 =	sshrl.u32 s8, $0x3;
	v1 =	vsel vm0, $0x1A80, v1;
	v2 =	vsel vm0, $0x2A80, v2;
	v3 =	vsel vm0, $0x3A80, v3;
	(pc) =	sbr.rel .LBB2_1-.Ltmp0, $4  }
0x2d: {  	s6 =	ssub.s32 $0x2, s6;
	_ =	strace $0x80000047;
	s8 =	sadd.s32 s8, s3;
	v4 =	vsel vm0, $0x4A80, v4;
	v5 =	vsel vm0, $0x5A80, v5;
	v6 =	vsel vm0, $0x6A80, v6  }
0x2e: {  	s29 =	sshrl.u32 s6, $0x1;
	s3 =	sadd.s32 s7, s3;
	s30 =	sadd.s32 $0x200, s8;
	v7 =	vsel vm0, $0x7A80, v7;
	v0 =	vsel vm1, $0xB00, v0;
	v1 =	vsel vm1, $0x1B00, v1  }
0x2f: {  	s9 =	ssub.s32 s6, s29;
	s31 =	sadd.s32 $0x6600, s3;
	[dreg:$0x5] =	wrdreg s30;
	v2 =	vsel vm1, $0x2B00, v2;
	v3 =	vsel vm1, $0x3B00, v3;
	v4 =	vsel vm1, $0x4B00, v4  }
0x30: {  	s18 =	simm.s32 $0x0;
	s8 =	smax.u32 s9, $0x1;
	[dreg:$0x6] =	wrdreg s31;
	v5 =	vsel vm1, $0x5B00, v5;
	v6 =	vsel vm1, $0x6B00, v6;
	v7 =	vsel vm1, $0x7B00, v7  }
.LBB2_8:
0x31: {  	s0 =	sadd.s32 $0x1, s19  }
0x32: {  	s3 =	sshrl.u32 s0, $0x1F  }
0x33: {  	s3 =	sadd.s32 s3, s0  }
0x34: {  	s3 =	sand.u32 $0xFFFFFFFE, s3  }
0x35: {  	s0 =	ssub.s32 s0, s3  }
0x36: {  	s0 =	sadd.s32 $0x1, s0  }
0x37: {  	_ =	swait.ge [sflag:s0], $0x8000  }
0x38: {  	[sflag:s0] =	ssyncset.done $0x0  }
0x39: {  	s18 =	sadd.s32 $0x1, s18;
	[sflag:s0] =	ssyncadd.s32 $0xFFFF8000  }
0x3a: {  	p0 =	sne.s32 s18, s8;
	_ =	swait.ge [sflag:s16], $0x2000  }
.Ltmp1:
0x3b: {  	[sflag:s16] =	ssyncset.done $0x0;
	(pc) =	sbr.rel @!p0 .LBB2_9-.Ltmp1, $4  }
0x3c: {  	[sflag:s16] =	ssyncadd.s32 $0xFFFFE000  }
0x3d: {  	_ =	swait.ge [sflag:s17], $0x2000  }
0x3e: {  	[sflag:s17] =	ssyncset.done $0x0  }
0x3f: {  	[sflag:s17] =	ssyncadd.s32 $0xFFFFE000  }
.LBB2_1:
0x40: {  	s0 =	simm.s32 $0x0  }
0x41: {  	s3 =	rddreg [dreg:$0x5];
	s5 =	simm.s32 $0x80;
	s6 =	simm.s32 $0x400  }
0x42: {  	[tilespmem:s0], [sflag:$0x5] =	stream.strided.gather [hbm4b:s3+s5], $0x1900, s6, s5, $0x38;
	[tilespmem:$0x18D80] =	vst v63  }
0x43: {  	_ =	swait.ge [sflag:s13], $0x1900  }
0x44: {  	[sflag:s13] =	ssyncset.done $0x0  }
0x45: {  	s24 =	simm.s32 $0x1980;
	s23 =	rddreg [dreg:$0x6];
	[sflag:s13] =	ssyncadd.s32 $0xFFFFE700  }
0x46: {  	[tilespmem:s24], [sflag:$0x5] =	stream.linear.gather [hbm4b:s23+s0], $0x3200, $0x38;
	[tilespmem:$0x18D80] =	vst v63  }
0x47: {  	_ =	swait.ge [sflag:s13], $0x3200  }
0x48: {  	[sflag:s13] =	ssyncset.done $0x0  }
0x49: {  	[sflag:s13] =	ssyncadd.s32 $0xFFFFCE00  }
0x4a: {  	v8 =	vld [tilespmem:$0x0];
	_ =	sdelay $0x4  }
0x4b: {  	(v2sf) =	vpush v8, $0x0;
	_ =	sdelay $0xe  }
0x4c: {  	s25 =	spop (v2sf)  }
0x4d: {  	s19 =	sshra.s32 s25, $0x8;
	s20 =	sshrl.u32 s25, $0x1F  }
0x4e: {  	s20 =	sadd.s32 s20, s19  }
0x4f: {  	s20 =	sand.u32 $0xFFFFFFFE, s20  }
0x50: {  	s3 =	sand.u32 $0xFFFFFF00, s25;
	s20 =	ssub.s32 s19, s20  }
0x51: {  	p0 =	slt.s32 s3, $0xF4180;
	s21 =	sshll.u32 s20, $0x11  }
0x52: {  	s26 =	sadd.s32 $0x1, s19;
	s3 =	simm.s32 @!p0 $0xF4180;
	s21 =	sshra.s32 s21, $0x2  }
0x53: {  	s23 =	sadd.s32 s1, s3;
	s20 =	sadd.s32 $0x1, s20;
	s22 =	sor.u32 $0x4D80, s21  }
0x54: {  	[tilespmem:s22], [sflag:s20] =	stream.strided.gather [hbm4b:s23+s12], $0x4000, s14, s12, $0x38;
	[tilespmem:$0x18D80] =	vst v63  }
0x55: {  	s28 =	sshrl.u32 s26, $0x1F;
	s3 =	sadd.s32 s2, s3;
	s21 =	sadd.s32 $0x8D80, s21  }
0x56: {  	[tilespmem:s21], [sflag:s20] =	stream.strided.gather [hbm4b:s3+s12], $0x4000, s14, s12, $0x38;
	[tilespmem:$0x18D80] =	vst v63  }
0x57: {  	s21 =	sadd.s32 s28, s26;
	s3 =	sshll.u32 s26, $0x8;
	_ =	swait.ge [sflag:s20], $0x4000  }
0x58: {  	s21 =	sand.u32 $0xFFFFFFFE, s21;
	p0 =	slt.s32 s3, $0xF4180;
	[sflag:s20] =	ssyncset.done $0x0  }
0x59: {  	s21 =	ssub.s32 s26, s21;
	s3 =	simm.s32 @!p0 $0xF4180;
	[sflag:s20] =	ssyncadd.s32 $0xFFFFC000  }
0x5a: {  	s29 =	sshll.u32 s21, $0x11;
	s21 =	sadd.s32 $0x1, s21;
	_ =	swait.ge [sflag:s20], $0x4000  }
0x5b: {  	s31 =	sadd.s32 s1, s3;
	s30 =	sshra.s32 s29, $0x2;
	[sflag:s20] =	ssyncset.done $0x0  }
.Ltmp2:
0x5c: {  	s22 =	sor.u32 $0x4D80, s30;
	[sflag:s20] =	ssyncadd.s32 $0xFFFFC000;
	(pc) =	sbr.rel .LBB2_2-.Ltmp2, $4  }
0x5d: {  	[tilespmem:s22], [sflag:s21] =	stream.strided.gather [hbm4b:s31+s12], $0x4000, s14, s12, $0x38;
	[tilespmem:$0x18D80] =	vst v63  }
0x5e: {  	s3 =	sadd.s32 s2, s3;
	s20 =	sadd.s32 $0x8D80, s30  }
0x5f: {  	[tilespmem:s20], [sflag:s21] =	stream.strided.gather [hbm4b:s3+s12], $0x4000, s14, s12, $0x38;
	[tilespmem:$0x18D80] =	vst v63  }
0x60: {  	s22 =	simm.s32 $0x0;
	s20 =	simm.s32 $0x0;
	s21 =	simm.s32 $0x0  }
.LBB2_7:
0x61: {  	p0 =	sne.s32 s25, $0x3  }
0x62: {  	s0 =	sshll.u32 @!p0 s23, $0x7  }
0x63: {  	s22 =	sadd.s32 $0x1, s22;
	s0 =	sand.u32 @!p0 $0x3FFFFF80, s0  }
0x64: {  	s3 =	sadd.s32 @!p0 $0x3, s24;
	s5 =	simm.s32 @!p0 $0x40;
	s0 =	sadd.s32 @!p0 $0x1980, s0  }
0x65: {  	[hbm4b:s4+s5] =	stream.indirect.scatter @!p0 [tilespmem:s26], [sflag:s3], $0x80, s0, s5, $0xb8;
	[tilespmem:$0x18D80] =	vst v63  }
0x66: {  	p0 =	sne.s32 s22, $0x190  }
.Ltmp3:
0x67: {  	_ = 	snop;
	(pc) =	sbr.rel @!p0 .LBB2_8-.Ltmp3, $2  }
0x68: {  	_ =	sdelay $0x2  }
0x69: {  	s21 =	sadd.s32 $0x10, s21;
	s20 =	sadd.s32 $0x1, s20  }
.LBB2_2:
0x6a: {  	s23 =	sshrl.u32 s22, $0x2  }
0x6b: {  	s25 =	sand.u32 $0x3, s22;
	p0 =	slt.u32 s22, $0x8;
	s3 =	sand.u32 $0x3, s20  }
0x6c: {  	s24 =	sand.u32 $0x1, s23;
	p1 =	sne.s32 @!p0 s25, $0x0;
	s3 =	sshll.u32 s3, $0xD  }
.Ltmp4:
0x6d: {  	s26 =	sshll.u32 s24, $0xF;
	p0 =	por p1, p0;
	(pc) =	sbr.rel .LBB2_3-.Ltmp4, $4  }
0x6e: {  	s3 =	sor.u32 s3, s26;
	s26 =	sadd.s32 @!p0 $0x3, s24  }
0x6f: {  	s29 =	simm.s32 $0x0;
	_ =	swait.ge @!p0 [sflag:s26], $0x2000  }
0x70: {  	s31 =	sshll.u32 s24, $0xD;
	s3 =	sshrl.u32 s3, $0x2;
	[sflag:s26] =	ssyncset.done @!p0 $0x0  }
0x71: {  	v8 =	vmov s21;
	s28 =	sadd.s32 $0x14DC0, s3;
	[sflag:s26] =	ssyncadd.s32 @!p0 $0xFFFFE000;
	s26 =	sor.u32 $0x14D80, s31  }
.LBB2_5:
0x72: {  	s0 =	sshrl.u32 s3, $0x1F  }
0x73: {  	s5 =	sshrl.u32 s19, $0x1F;
	s0 =	sadd.s32 s0, s3  }
0x74: {  	s7 =	sadd.s32 s5, s19;
	s0 =	sand.u32 $0xFFFFFFFE, s0  }
0x75: {  	s31 =	sand.u32 $0xFFFFFF00, s30;
	s0 =	ssub.s32 s3, s0;
	s3 =	sand.u32 $0xFFFFFFFE, s7  }
0x76: {  	p0 =	slt.s32 s31, $0xF4180;
	s0 =	sadd.s32 $0x1, s0;
	s3 =	ssub.s32 s19, s3  }
0x77: {  	s31 =	simm.s32 @!p0 $0xF4180;
	_ =	swait.ge [sflag:s0], $0x8000;
	s9 =	sshll.u32 s3, $0x11  }
0x78: {  	s7 =	sadd.s32 s1, s31;
	[sflag:s0] =	ssyncset.done $0x0;
	s10 =	sshra.s32 s9, $0x2  }
0x79: {  	s5 =	sadd.s32 $0x1, s3;
	[sflag:s0] =	ssyncadd.s32 $0xFFFF8000;
	s6 =	sor.u32 $0x4D80, s10  }
0x7a: {  	[tilespmem:s6], [sflag:s5] =	stream.strided.gather [hbm4b:s7+s12], $0x4000, s14, s12, $0x38;
	[tilespmem:$0x18D80] =	vst v63  }
0x7b: {  	s7 =	sadd.s32 $0x1, s19  }
0x7c: {  	s11 =	sadd.s32 s2, s31;
	s0 =	sadd.s32 $0x8D80, s10;
	s9 =	sshrl.u32 s7, $0x1F  }
0x7d: {  	[tilespmem:s0], [sflag:s5] =	stream.strided.gather [hbm4b:s11+s12], $0x4000, s14, s12, $0x38;
	[tilespmem:$0x18D80] =	vst v63  }
0x7e: {  	s6 =	sadd.s32 s9, s7;
	_ =	swait.ge [sflag:s5], $0x4000  }
0x7f: {  	s0 =	sshll.u32 s7, $0x8;
	s6 =	sand.u32 $0xFFFFFFFE, s6;
	[sflag:s5] =	ssyncset.done $0x0  }
0x80: {  	p0 =	slt.s32 s0, $0xF4180;
	s6 =	ssub.s32 s7, s6;
	[sflag:s5] =	ssyncadd.s32 $0xFFFFC000  }
0x81: {  	s0 =	simm.s32 @!p0 $0xF4180;
	s10 =	sshll.u32 s6, $0x11;
	_ =	swait.ge [sflag:s5], $0x4000  }
0x82: {  	s6 =	sadd.s32 $0x1, s6;
	s11 =	sshra.s32 s10, $0x2;
	[sflag:s5] =	ssyncset.done $0x0  }
0x83: {  	s9 =	sadd.s32 s1, s0;
	s7 =	sor.u32 $0x4D80, s11;
	[sflag:s5] =	ssyncadd.s32 $0xFFFFC000  }
0x84: {  	[tilespmem:s7], [sflag:s6] =	stream.strided.gather [hbm4b:s9+s12], $0x4000, s14, s12, $0x38;
	[tilespmem:$0x18D80] =	vst v63  }
0x85: {  	s0 =	sadd.s32 s2, s0;
	s5 =	sadd.s32 $0x8D80, s11  }
0x86: {  	[tilespmem:s5], [sflag:s6] =	stream.strided.gather [hbm4b:s0+s12], $0x4000, s14, s12, $0x38;
	[tilespmem:$0x18D80] =	vst v63  }
.LBB2_6:
0x87: {  	s0 =	ssub.s32 s30, s31  }
0x88: {  	v9 =	vmov s0  }
0x89: {  	s31 =	sshll.u32 s3, $0xF;
	v10 =	vand.u32 $0x7F, v9;
	v9 =	vshll.u32 v9, $0x3  }
0x8a: {  	v9 =	vand.u32 $0xFFFFFC00, v9;
	v10 =	vor.u32 s31, v10  }
0x8b: {  	v9 =	vadd.s32 v10, v9  }
0x8c: {  	v10 =	vadd.s32 v0, v9;
	_ =	sdelay $0x4  }
0x8d: {  	v10 =	vld.idx.msk [tilespmem:v10+s15+$0x0], $0xffff  }
0x8e: {  	v11 =	vadd.s32 v1, v9;
	_ =	sdelay $0x3  }
0x8f: {  	[tilespmem:s28+$0xFFFFFFC0] =	vst v10  }
0x90: {  	v10 =	vld.idx.msk [tilespmem:v11+s15+$0x0], $0xffff  }
0x91: {  	v11 =	vadd.s32 v2, v9;
	_ =	sdelay $0x3  }
0x92: {  	[tilespmem:s28+$0xFFFFFFD0] =	vst v10  }
0x93: {  	v10 =	vld.idx.msk [tilespmem:v11+s15+$0x0], $0xffff  }
0x94: {  	v11 =	vadd.s32 v3, v9;
	_ =	sdelay $0x3  }
0x95: {  	[tilespmem:s28+$0xFFFFFFE0] =	vst v10  }
0x96: {  	v10 =	vld.idx.msk [tilespmem:v11+s15+$0x0], $0xffff  }
0x97: {  	v11 =	vadd.s32 v4, v9;
	_ =	sdelay $0x3  }
0x98: {  	[tilespmem:s28+$0xFFFFFFF0] =	vst v10  }
0x99: {  	v10 =	vld.idx.msk [tilespmem:v11+s15+$0x0], $0xffff  }
0x9a: {  	v11 =	vadd.s32 v5, v9;
	_ =	sdelay $0x3  }
0x9b: {  	[tilespmem:s28+$0x0] =	vst v10  }
0x9c: {  	v10 =	vld.idx.msk [tilespmem:v11+s15+$0x0], $0xffff  }
0x9d: {  	v11 =	vadd.s32 v6, v9;
	_ =	sdelay $0x3  }
0x9e: {  	[tilespmem:s28+$0x10] =	vst v10  }
0x9f: {  	v10 =	vld.idx.msk [tilespmem:v11+s15+$0x0], $0xffff  }
0xa0: {  	v9 =	vadd.s32 v7, v9;
	_ =	sdelay $0x3  }
0xa1: {  	s29 =	sadd.s32 $0x4, s29;
	[tilespmem:s28+$0x20] =	vst v10  }
0xa2: {  	p0 =	sne.s32 s29, $0x40;
	v9 =	vld.idx.msk [tilespmem:v9+s15+$0x0], $0xffff  }
.Ltmp5:
0xa3: {  	_ = 	snop;
	(pc) =	sbr.rel @!p0 .LBB2_7-.Ltmp5, $2  }
0xa4: {  	_ =	sdelay $0x2  }
0xa5: {  	[tilespmem:s28+$0x30] =	vst v9;
	s28 =	sadd.s32 $0x80, s28  }
.LBB2_3:
0xa6: {  	_ =	sdelay $0x2  }
0xa7: {  	s3 =	sshra.s32 s29, $0x2  }
0xa8: {  	v9 =	vld.idx.msk [tilespmem:v8+s3+$0x0 ss:$0x1], $0xffff;
	_ =	sdelay $0x4  }
0xa9: {  	(v2sf) =	vpush v9, $0x0;
	_ =	sdelay $0xe  }
0xaa: {  	s31 =	smov.u32 s19;
	s30 =	spop (v2sf)  }
0xab: {  	s3 =	sadd.s32 $0x1, s31;
	s19 =	sshra.s32 s30, $0x8  }
0xac: {  	p0 =	sne.s32 s19, s3  }
0xad: {  	s0 =	sshrl.u32 @!p0 s19, $0x1F;
	s9 =	sadd.s32 @!p0 $0x1, s19  }
0xae: {  	s0 =	sadd.s32 @!p0 s0, s19;
	s10 =	sshrl.u32 @!p0 s9, $0x1F  }
0xaf: {  	s0 =	sand.u32 @!p0 $0xFFFFFFFE, s0;
	s10 =	sadd.s32 @!p0 s10, s9  }
0xb0: {  	s6 =	simm.s32 @!p0 $0x800;
	s0 =	ssub.s32 @!p0 s19, s0;
	s10 =	sand.u32 @!p0 $0xFFFFFFFE, s10  }
0xb1: {  	s0 =	sadd.s32 @!p0 $0x1, s0;
	s10 =	ssub.s32 @!p0 s9, s10;
	s9 =	sshll.u32 @!p0 s9, $0x8  }
0xb2: {  	s7 =	simm.s32 @!p0 $0x7A1400;
	_ =	swait.ge @!p0 [sflag:s0], $0x8000;
	p1 =	slt.s32 @!p0 s9, $0xF4180  }
0xb3: {  	s11 =	sshll.u32 @!p0 s10, $0x11;
	[sflag:s0] =	ssyncset.done @!p0 $0x0;
	p1 =	por !p1, p0  }
0xb4: {  	[sflag:s0] =	ssyncadd.s32 @!p0 $0xFFFF8000;
	s0 =	sshra.s32 @!p0 s11, $0x2;
	s9 =	simm.s32 @p1 $0xF4180  }
0xb5: {  	s10 =	sadd.s32 @!p0 $0x1, s10;
	s11 =	sor.u32 @!p0 $0x4D80, s0;
	s5 =	sadd.s32 @!p0 s1, s9  }
0xb6: {  	[tilespmem:s11], [sflag:s10] =	stream.strided.gather @!p0 [hbm4b:s5+s6], $0x4000, s7, s6, $0x38;
	[tilespmem:$0x18D80] =	vst v63  }
0xb7: {  	s0 =	sadd.s32 @!p0 $0x8D80, s0;
	s5 =	sadd.s32 @!p0 s2, s9  }
0xb8: {  	[tilespmem:s0], [sflag:s10] =	stream.strided.gather @!p0 [hbm4b:s5+s6], $0x4000, s7, s6, $0x38;
	[tilespmem:$0x18D80] =	vst v63  }
0xb9: {  	p0 =	seq.s32 s19, s31  }
0xba: {  	p1 =	sne.s32 @!p0 s19, s3  }
0xbb: {  	p0 =	por p0, !p1  }
.Ltmp6:
0xbc: {  	_ = 	snop;
	(pc) =	sbr.rel @!p0 .LBB2_5-.Ltmp6, $1  }
0xbd: {  	_ =	sdelay $0x3  }
.Ltmp7:
0xbe: {  	(pc) =	sbr.rel .LBB2_6-.Ltmp7, $4  }
0xbf: {  	s0 =	sshrl.u32 s19, $0x1F  }
0xc0: {  	s31 =	sand.u32 $0xFFFFFF00, s30;
	s0 =	sadd.s32 s0, s19  }
0xc1: {  	p0 =	slt.s32 s31, $0xF4180;
	s0 =	sand.u32 $0xFFFFFFFE, s0  }
0xc2: {  	s31 =	simm.s32 @!p0 $0xF4180;
	s3 =	ssub.s32 s19, s0  }
.LBB2_9:
0xc3: {  	_ =	sfence.sel $0x180000  }
0xc4: {  	[bflag:$0x0] =	sbarrier.arrive $0xFFFF  }
0xc5: {  	_ =	strace $0x90000047  }
0xc6: {  	s0 =	stileid.u32;
	[bflag:$0x2] =	sbarrier.arrive $0xFFFF  }
0xc7: {  	p0 =	sne.s32 s0, $0x0;
	s0 =	rddreg [dreg:$0x4]  }
0xc8: {  	s0 =	sadd.s32 @!p0 $0x100000, s0  }
0xc9: {  	[sflag:s0] =	ssyncadd.tile.s32 @!p0 $0x1;
	_ =	shalt  }
.Lfunc_end2:
_tile_overlayer_lowered:
.L_overlay_start_2:
0xca: {  	(tag) =	ssettag $0x2  }
0xcb: {  	s0 =	rddreg [dreg:$0x0];
	s2 =	stileid.u32  }
0xcc: {  	s1 =	rddreg [dreg:$0x1];
	p0 =	sne.s32 s2, $0x0  }
0xcd: {  	s3 =	rddreg [dreg:$0x2];
	[bflag:$0x3] =	sbarrier.arrive $0xFFFF;
	s2 =	simm.s32 @!p0 $0x1C05  }
0xce: {  	[timem:s3], [sflag:s2] =	dma.local @!p0 [hbm:s0], s1  }
0xcf: {  	s0 =	simm.s32 @!p0 $0x5  }
0xd0: {  	_ =	swait.ge @!p0 [sflag:s0], s1  }
0xd1: {  	s1 =	ssub.s32 @!p0 $0x0, s1;
	[sflag:s0] =	ssyncset.done @!p0 $0x0  }
0xd2: {  	[sflag:s0] =	ssyncadd.s32 @!p0 s1  }
0xd3: {  	[bflag:$0x3] =	sbarrier.arrive $0xFFFF  }
0xd4: {  	_ =	shalt  }

// kernel: sparse-core-data-format-call.cloned.1.call-start
scs
called_computation_lowered:
.L_overlay_start_0:
0x0: {  	s2 =	sld [smem:$0x3FD9]  }
0x1: {  	s3 =	sld [smem:$0x3FFE];
	_ =	sdelay $0x1  }
0x2: {  	s1 =	srdreg.scid  }
0x3: {  	s0 =	sand.u32 $0x1, s1  }
0x4: {  	s18 =	sshll.u32 s0, $0xA;
	s2 =	sadd.s32 s3, s2  }
0x5: {  	s2 =	sadd.s32 s2, s18  }
0x6: {  	[smem:$0x3FC5] =	sst s2  }
0x7: {  	_ = 	snop  }
0x8: {  	s2 =	sld [smem:$0x3FD0];
	(tm) =	ssettm $0x1  }
0x9: {  	s19 =	sld [smem:$0x3FFB];
	_ =	sdelay $0x3  }
0xa: {  	_ =	strace s19  }
0xb: {  	s3 =	sld [smem:$0x3FFC];
	_ =	sdelay $0x3  }
0xc: {  	_ =	strace s3  }
0xd: {  	s3 =	sld [smem:$0x3FFD];
	_ =	sdelay $0x3  }
0xe: {  	_ =	strace s3  }
0xf: {  	_ =	strace $0x8FFFFFFF  }
0x10: {  	s20 =	sld [smem:$0x3FDB];
	_ =	sdelay $0x1  }
0x11: {  	s4 =	simm.s32 $_scs_section_size  }
0x12: {  	s5 =	simm.s32 $_size__tile_overlayer_lowered;
	s6 =	simm.s32 $_tile_overlayer_lowered  }
0x13: {  	s23 =	simm.s32 $0x1BFF;
	s22 =	sshll.u32 s6, $0x1;
	s3 =	sadd.s32 s4, s20  }
0x14: {  	s7 =	simm.s32 $0x0;
	s21 =	sshll.u32 s5, $0x1;
	s5 =	sadd.s32 s22, s3  }
0x15: {  	[timem:s7], [sflag:s23] =	dma.local [hbm:s5], s21  }
0x16: {  	_ =	swait.ge [sflag:s23], s21  }
0x17: {  	s4 =	ssub.s32 $0x0, s21;
	[sflag:s23] =	ssyncset.done $0x0  }
0x18: {  	[sflag:s23] =	ssyncadd.s32 s4;
	_ =	sdelay $0x1  }
0x19: {  	s24 =	simm.s32 $0x1B8B  }
0x1a: {  	_ =	swait.ge [sflag:s24], $0x1  }
0x1b: {  	[sflag:s24] =	ssyncset.done $0x0  }
0x1c: {  	s26 =	simm.s32 $0x1B8E;
	s25 =	sld [smem:$0x3FFE];
	[sflag:s24] =	ssyncadd.s32 $0xFFFFFFFF  }
0x1d: {  	s27 =	simm.s32 $execute0_lowered;
	[smem:$0x3FD2] =	sst s26  }
0x1e: {  	s5 =	sshll.u32 s27, $0x1;
	_ =	strace $0x80000049;
	[dreg:$0x1] =	wrdreg $0xFFFFFFFF  }
0x1f: {  	s28 =	simm.s32 $_size_execute0_lowered;
	s3 =	sadd.s32 s3, s5;
	[dreg:$0x0] =	wrdreg $0x0  }
0x20: {  	s5 =	sshll.u32 s28, $0x1;
	[dreg:$0x2] =	wrdreg s3  }
0x21: {  	[dreg:$0x3] =	wrdreg s5  }
0x22: {  	[dreg:$0x4] =	wrdreg $0xC0  }
0x23: {  	_ =	task [dreg:s7], $0x5FFFF  }
0x24: {  	[dreg:$0x1] =	wrdreg $0xFFFFFFFF  }
0x25: {  	[dreg:$0x0] =	wrdreg $0x60  }
0x26: {  	[dreg:$0x2] =	wrdreg s25  }
0x27: {  	[dreg:$0x3] =	wrdreg s2  }
0x28: {  	[dreg:$0x4] =	wrdreg $0x9  }
0x29: {  	_ =	task.clear_ibuf [dreg:s7], $0x5FFFF;
	_ =	strace $0x90000049  }
0x2a: {  	s29 =	simm.s32 $0x9;
	_ =	strace $0x8000004B  }
0x2b: {  	_ =	swait.ge [sflag:s29], $0x1  }
0x2c: {  	[sflag:s29] =	ssyncadd.s32 $0xFFFFFFFF  }
0x2d: {  	_ =	strace $0x9000004B  }
0x2e: {  	_ =	sfence  }
0x2f: {  	s30 =	sld [smem:$0x0];
	_ =	sdelay $0x2  }
0x30: {  	s31 =	sshll.u32 s1, $0xD;
	s1 =	sshrl.u32 s1, $0x2  }
0x31: {  	s3 =	sand.u32 $0x4000, s31;
	s1 =	sadd.s32 s1, s30  }
0x32: {  	s0 =	sor.u32 s3, s0;
	s1 =	sshll.u32 s1, $0x11  }
0x33: {  	s0 =	sor.u32 s1, s0  }
0x34: {  	s0 =	sadd.s32 $0x8F2B, s0  }
0x35: {  	[sflag:s0] =	ssyncadd.remote.s32 $0x1  }
0x36: {  	_ =	sfence.sel $0xFFFF  }
0x37: {  	[dreg:$0x0] =	wrdreg $0xFFFFFFFF;
	(pc) =	sbr.abs _section_cstart, $3  }
0x38: {  	[dreg:$0x1] =	wrdreg $0xFFFFFFFF  }
0x39: {  	_ =	task.clear_ibuf [dreg:s7], $0x2FFFF;
	_ =	strace $0x9FFFFFFF  }
0x3a: {  	(tm) =	ssettm $0x7FFFFFFF  }
0x3b: {  	_ =	shalt  }
tec
execute0_lowered:
.L_overlay_start_1:
0x0: {  	(tag) =	ssettag $0x1  }
0x1: {  	s0 =	srdreg.scid  }
0x2: {  	s1 =	sshll.u32 s0, $0x4  }
0x3: {  	s0 =	stileid.u32;
	s1 =	sand.u32 $0x10, s1  }
0x4: {  	s1 =	sor.u32 s0, s1  }
0x5: {  	s6 =	rddreg [dreg:$0x0];
	s4 =	simm.s32 $0x1;
	s2 =	sshll.u32 s1, $0x6  }
0x6: {  	s7 =	simm.s32 $0x2;
	s13 =	simm.s32 $0x0;
	s1 =	ssub.s32 $0x1000, s2  }
0x7: {  	s8 =	simm.s32 $0x2000;
	s9 =	simm.s32 $0x80000;
	s3 =	sand.u32 $0x7C0, s1  }
0x8: {  	s14 =	simm.s32 $0x0;
	s5 =	sshrl.u32 s1, $0xB;
	p0 =	sne.s32 s3, $0x0  }
.Ltmp0:
0x9: {  	s1 =	rddreg [dreg:$0x2];
	s4 =	simm.s32 @!p0 $0x0;
	(pc) =	sbr.rel .LBB1_1-.Ltmp0, $4  }
0xa: {  	s10 =	simm.s32 $0x0;
	s3 =	rddreg [dreg:$0x1];
	s5 =	sadd.s32 s4, s5  }
0xb: {  	_ =	strace $0x8000004A;
	s4 =	simm.s32 $0x1;
	s5 =	smul.u32 $0x19, s5  }
0xc: {  	s12 =	simm.s32 $0x0;
	s6 =	sadd.s32 $0x200, s6;
	[sflag:s4] =	ssyncpa.u1 $0x0  }
0xd: {  	s11 =	smov.u32 s2;
	[sflag:s7] =	ssyncpa.u1 $0x0;
	s7 =	sadd.s32 $0x1, s5  }
.LBB1_7:
0xe: {  	s15 =	sadd.s32 $0x2, s10  }
0xf: {  	s13 =	sadd.s32 $0x800, s11;
	s17 =	smov.u32 s11;
	p1 =	sgt.s32 s15, $0x31  }
0x10: {  	s17 =	smov.u32 @p1 s13  }
0x11: {  	s15 =	simm.s32 @p1 $0x0;
	p1 =	sgt.s32 s17, $0xFFF  }
0x12: {  	s17 =	smov.u32 @p1 s2;
	p1 =	sne.s32 s12, s7  }
.Ltmp1:
0x13: {  	p0 =	slt.u32 s12, $0x2;
	(pc) =	sbr.rel @!p1 .LBB1_8-.Ltmp1, $4  }
0x14: {  	s16 =	simm.s32 @!p0 $0x2  }
0x15: {  	s14 =	smov.u32 s11;
	_ =	swait.ge @!p0 [sflag:s16], $0x4000  }
0x16: {  	s13 =	smov.u32 s10;
	[sflag:s16] =	ssyncset.done @!p0 $0x0;
	s10 =	smov.u32 s15  }
0x17: {  	s12 =	sadd.s32 $0x1, s12;
	[sflag:s16] =	ssyncadd.s32 @!p0 $0xFFFFC000;
	s11 =	smov.u32 s17  }
.LBB1_1:
0x18: {  	p0 =	sge.u32 s12, s5  }
0x19: {  	s15 =	sand.u32 @!p0 $0x1FFFFFF, s10  }
0x1a: {  	s16 =	smulhi.u32 @!p0 $0x4924925, s15;
	_ =	sdelay $0x1  }
0x1b: {  	s16 =	smul.u32 @!p0 $0x38, s16  }
0x1c: {  	s17 =	sxor.u32 @!p0 $0xFFFFFFFF, s12;
	s18 =	smul.u32 @!p0 $0x380, s11  }
0x1d: {  	s31 =	sadd.s32 $0xFFFFFFFF, s12;
	s17 =	sshll.u32 @!p0 s17, $0xE;
	s15 =	ssub.s32 @!p0 s15, s16  }
0x1e: {  	s16 =	sand.u32 @!p0 $0x4000, s17;
	s17 =	sadd.s32 @!p0 s6, s18;
	s15 =	sshll.u32 @!p0 s15, $0x4  }
0x1f: {  	s18 =	simm.s32 @!p0 $0x1C00;
	s15 =	sadd.s32 @!p0 s15, s17;
	s17 =	simm.s32 @!p0 $0x100  }
0x20: {  	[tilespmem:s16], [sflag:$0x1] =	stream.strided.gather @!p0 [hbm4b:s15+s17], $0x4000, s18, s17, $0x38;
	[tilespmem:$0x10000] =	vst v63  }
0x21: {  	p0 =	sge.u32 s31, s5  }
.Ltmp2:
0x22: {  	_ = 	snop;
	(pc) =	sbr.rel @p0 .LBB1_7-.Ltmp2, $1  }
0x23: {  	_ =	sdelay $0x3  }
0x24: {  	_ =	swait.ge [sflag:s4], $0x4000;
	s15 =	sshll.u32 s12, $0xE  }
0x25: {  	[sflag:s4] =	ssyncset.done $0x0;
	s16 =	sand.u32 $0x4000, s15  }
0x26: {  	s17 =	simm.s32 $0x0;
	[sflag:s4] =	ssyncadd.s32 $0xFFFFC000;
	s15 =	sor.u32 $0x8000, s16  }
.LBB1_3:
0x27: {  	s18 =	sshll.u32 s17, $0x8  }
0x28: {  	s18 =	sand.u32 $0x3FFFFF00, s18  }
0x29: {  	s19 =	sshll.u32 s17, $0x7;
	s18 =	sadd.s32 s18, s16  }
0x2a: {  	s19 =	sand.u32 $0x3FFFFF80, s19;
	v0 =	vmov s18  }
0x2b: {  	s19 =	sadd.s32 s19, s15  }
0x2c: {  	p0 =	por $0x1, $0x1;
	v1 =	vmov s19;
	s18 =	simm.s32 $0x0  }
.LBB1_4:
0x2d: {  	s19 =	sshll.u32 s18, $0x7  }
0x2e: {  	s19 =	sand.u32 $0x3FFFFF80, s19  }
0x2f: {  	v2 =	vld.idx.msk [tilespmem:v0+s19+$0x0 ss:$0x1], $0xffff  }
0x30: {  	v3 =	vld.idx.msk [tilespmem:v0+s19+$0x10 ss:$0x1], $0xffff  }
0x31: {  	v4 =	vld.idx.msk [tilespmem:v0+s19+$0x20 ss:$0x1], $0xffff  }
0x32: {  	s31 =	sshll.u32 s18, $0xD;
	v5 =	vld.idx.msk [tilespmem:v0+s19+$0x30 ss:$0x1], $0xffff  }
0x33: {  	s18 =	sand.u32 $0x3FFFE000, s31;
	v6 =	vld.idx.msk [tilespmem:v0+s19+$0x40 ss:$0x1], $0xffff  }
0x34: {  	v63 =	vld.idx.msk [tilespmem:v0+s19+$0x70 ss:$0x1], $0xffff;
	[tilespmem:v1+s18+$0x0 ss:$0x1] =	vst.idx.msk $0xffff, v2  }
0x35: {  	v2 =	vld.idx.msk [tilespmem:v0+s19+$0x50 ss:$0x1], $0xffff;
	[tilespmem:v1+s18+$0x10 ss:$0x1] =	vst.idx.msk $0xffff, v3  }
0x36: {  	p1 =	por p0, p0;
	v3 =	vld.idx.msk [tilespmem:v0+s19+$0x60 ss:$0x1], $0xffff;
	[tilespmem:v1+s18+$0x20 ss:$0x1] =	vst.idx.msk $0xffff, v4  }
.Ltmp3:
0x37: {  	[tilespmem:v1+s18+$0x30 ss:$0x1] =	vst.idx.msk $0xffff, v5;
	(pc) =	sbr.rel @p1 .LBB1_4-.Ltmp3, $4  }
0x38: {  	[tilespmem:v1+s18+$0x40 ss:$0x1] =	vst.idx.msk $0xffff, v6  }
0x39: {  	[tilespmem:v1+s18+$0x70 ss:$0x1] =	vst.idx.msk $0xffff, v63  }
0x3a: {  	[tilespmem:v1+s18+$0x50 ss:$0x1] =	vst.idx.msk $0xffff, v2  }
0x3b: {  	p0 =	por $0x0, $0x0;
	[tilespmem:v1+s18+$0x60 ss:$0x1] =	vst.idx.msk $0xffff, v3;
	s18 =	simm.s32 $0x1  }
0x3c: {  	s17 =	sadd.s32 $0x1, s17  }
0x3d: {  	p0 =	sne.s32 s17, $0x40  }
.Ltmp4:
0x3e: {  	_ = 	snop;
	(pc) =	sbr.rel @p0 .LBB1_3-.Ltmp4, $1  }
0x3f: {  	_ =	sdelay $0x3  }
.Ltmp5:
0x40: {  	s14 =	sshll.u32 s14, $0x4;
	(pc) =	sbr.rel .LBB1_7-.Ltmp5, $4  }
0x41: {  	s14 =	sand.u32 $0xFFF0, s14  }
0x42: {  	s13 =	sshll.u32 s13, $0x10;
	s14 =	sadd.s32 s3, s14  }
0x43: {  	s13 =	sadd.s32 s13, s14  }
0x44: {  	[hbm4b:s13+s8] =	stream.strided.scatter [tilespmem:s15], [sflag:$0x2], $0x4000, s9, s8, $0x38;
	[tilespmem:$0x10000] =	vst v63  }
.LBB1_8:
0x45: {  	_ =	sfence.sel $0x180000  }
0x46: {  	s2 =	simm.s32 $0x1;
	[bflag:$0x0] =	sbarrier.arrive $0xFFFF  }
0x47: {  	s31 =	simm.s32 $0x2;
	[sflag:s2] =	ssyncpa.u1 $0x1  }
0x48: {  	[sflag:s31] =	ssyncpa.u1 $0x1  }
0x49: {  	p0 =	sne.s32 s0, $0x0;
	_ =	strace $0x9000004A  }
0x4a: {  	s0 =	sadd.s32 @!p0 $0x100000, s1;
	[bflag:$0x2] =	sbarrier.arrive $0xFFFF  }
0x4b: {  	[sflag:s0] =	ssyncadd.tile.s32 @!p0 $0x1;
	_ =	shalt  }
.Lfunc_end1:
_tile_overlayer_lowered:
.L_overlay_start_2:
0x4c: {  	(tag) =	ssettag $0x2  }
0x4d: {  	s0 =	rddreg [dreg:$0x0];
	s2 =	stileid.u32  }
0x4e: {  	s1 =	rddreg [dreg:$0x1];
	p0 =	sne.s32 s2, $0x0  }
0x4f: {  	s3 =	rddreg [dreg:$0x2];
	[bflag:$0x3] =	sbarrier.arrive $0xFFFF;
	s2 =	simm.s32 @!p0 $0x1C01  }
0x50: {  	[timem:s3], [sflag:s2] =	dma.local @!p0 [hbm:s0], s1  }
0x51: {  	s0 =	simm.s32 @!p0 $0x1  }
0x52: {  	_ =	swait.ge @!p0 [sflag:s0], s1  }
0x53: {  	s1 =	ssub.s32 @!p0 $0x0, s1;
	[sflag:s0] =	ssyncset.done @!p0 $0x0  }
0x54: {  	[sflag:s0] =	ssyncadd.s32 @!p0 s1  }
0x55: {  	[bflag:$0x3] =	sbarrier.arrive $0xFFFF  }
0x56: {  	_ =	shalt  }

</sc_bundles>
